<compile_context>
chip_gen: v7x
topology: tpu7x:2x2x1
jax: 0.10.2.dev20260603
libtpu: 0.0.44.dev20260713+nightly
codegen_flags: <defaults>
</compile_context>

<pallas_src>
import dataclasses
import functools

import jax
import jax.numpy as jnp
from jax import lax
from jax.experimental import pallas as pl
from jax.experimental.pallas import tpu as pltpu
from jax.experimental.pallas import tpu_sc as plsc

B = 16384
N_NUM = 13
F = 26
V = 100000
K = 16
NC = 2
NS = 16
BH = B // NC


def _sc_planes(vt3, lint3, idxt):
    mesh = plsc.VectorSubcoreMesh(core_axis_name="c", subcore_axis_name="s")
    cp = pltpu.CompilerParams()
    if "use_tc_tiling_on_sc" in pltpu.CompilerParams.__dataclass_fields__:
        cp = dataclasses.replace(cp, use_tc_tiling_on_sc=True)
    if "needs_layout_passes" in pltpu.CompilerParams.__dataclass_fields__:
        cp = dataclasses.replace(cp, needs_layout_passes=False)

    @functools.partial(
        pl.kernel,
        out_type=jax.ShapeDtypeStruct((NC * 3 * NS * BH,), jnp.float32),
        mesh=mesh,
        compiler_params=cp,
        scratch_types=[
            pltpu.VMEM((V,), jnp.float32),
            pltpu.VMEM((BH,), jnp.int32),
            pltpu.VMEM((BH,), jnp.float32),
            pltpu.VMEM((BH,), jnp.float32),
            pltpu.SemaphoreType.DMA,
            pltpu.SemaphoreType.DMA,
        ],
    )
    def k(vt_hbm, lf_hbm, idx_hbm, out_hbm, plane, idxf, acc, acc2,
          sem, sem2):
        c = lax.axis_index("c")
        t = lax.axis_index("s")
        bbase = c * BH

        @pl.loop(0, BH, step=16)
        def _(m):
            z = jnp.zeros((16,), jnp.float32)
            acc[pl.ds(m, 16)] = z
            acc2[pl.ds(m, 16)] = z

        @pl.loop(0, F)
        def _(f):
            cp = pltpu.async_copy(vt_hbm.at[f, t, :], plane, sem)
            ci = pltpu.async_copy(
                idx_hbm.at[pl.ds(f * B + bbase, BH)], idxf, sem2)
            cp.wait()
            ci.wait()

            @pl.loop(0, BH, step=64)
            def _(m0):
                for u in range(4):
                    m = m0 + u * 16
                    g = plsc.load_gather(plane, [idxf[pl.ds(m, 16)]])
                    acc[pl.ds(m, 16)] = acc[pl.ds(m, 16)] + g
                    acc2[pl.ds(m, 16)] = acc2[pl.ds(m, 16)] + g * g

        pltpu.sync_copy(acc, out_hbm.at[pl.ds(((c * 3 + 0) * NS + t) * BH, BH)])
        pltpu.sync_copy(acc2, out_hbm.at[pl.ds(((c * 3 + 1) * NS + t) * BH, BH)])

        @pl.loop(0, BH, step=16)
        def _(m):
            acc[pl.ds(m, 16)] = jnp.zeros((16,), jnp.float32)

        def lin_field(f):
            cp = pltpu.async_copy(lf_hbm.at[f, 0, :], plane, sem)
            ci = pltpu.async_copy(
                idx_hbm.at[pl.ds(f * B + bbase, BH)], idxf, sem2)
            cp.wait()
            ci.wait()

            @pl.loop(0, BH, step=64)
            def _(m0):
                for u in range(4):
                    m = m0 + u * 16
                    g = plsc.load_gather(plane, [idxf[pl.ds(m, 16)]])
                    acc[pl.ds(m, 16)] = acc[pl.ds(m, 16)] + g

        lin_field(t)

        @pl.when(t + NS < F)
        def _():
            lin_field(t + NS)

        pltpu.sync_copy(acc, out_hbm.at[pl.ds(((c * 3 + 2) * NS + t) * BH, BH)])

    return k(vt3, lint3, idxt)


def _combine(scout, x_num, v_num, w_row, const):
    BLK = 512
    NBH = BH // BLK

    def body(sc_ref, x_ref, vn_ref, w_ref, c_ref, o_ref):
        sc = sc_ref[0]
        sv_cat = jnp.transpose(sc[0])
        sq_cat = jnp.transpose(sc[1])
        lp = jnp.transpose(sc[2])
        x = x_ref[...]
        vn = vn_ref[...]
        sv = sv_cat + jnp.dot(x, vn, preferred_element_type=jnp.float32)
        sq = sq_cat + jnp.dot(x * x, vn * vn,
                              preferred_element_type=jnp.float32)
        lin = (jnp.sum(lp, axis=1, keepdims=True)
               + jnp.sum(x * w_ref[...], axis=1, keepdims=True)
               + c_ref[0, 0])
        o_ref[...] = lin + 0.5 * jnp.sum(sv * sv - sq, axis=1, keepdims=True)

    return pl.pallas_call(
        body,
        grid=(B // BLK,),
        in_specs=[
            pl.BlockSpec((1, 3, NS, BLK), lambda i: (i // NBH, 0, 0, i % NBH)),
            pl.BlockSpec((BLK, N_NUM), lambda i: (i, 0)),
            pl.BlockSpec((N_NUM, K), lambda i: (0, 0)),
            pl.BlockSpec((1, N_NUM), lambda i: (0, 0)),
            pl.BlockSpec((1, 1), lambda i: (0, 0)),
        ],
        out_specs=pl.BlockSpec((BLK, 1), lambda i: (i, 0)),
        out_shape=jax.ShapeDtypeStruct((B, 1), jnp.float32),
    )(scout, x_num, v_num, w_row, const)


def kernel(x_num, x_cat, bias, W_num, lin_cat, v_num, v_cat):
    xc = x_cat.astype(jnp.int32)
    idxt = jnp.transpose(xc).reshape(-1)
    vt3 = jnp.transpose(v_cat, (0, 2, 1))
    lint3 = jnp.transpose(lin_cat, (0, 2, 1))
    scout = _sc_planes(vt3, lint3, idxt).reshape(NC, 3, NS, BH)
    const = bias.reshape(1, 1)
    return _combine(scout, x_num, v_num, W_num, const)

# --- scband reference (transcript-rebuilt; emitter-appended) ---
"""Pipeline reference for scband-factorization-machine-54674933678763 (READ-ONLY COPY).

The authoritative reference and input builder live on the scoring server;
editing this copy changes nothing except your own understanding.
"""

import jax, jax.numpy as jnp
import numpy as np

B = 16384
N_NUM = 13
N_FIELDS = 26
VOCAB = 100000
K = 16


def setup_inputs(seed: int = 0) -> dict:
    key = jax.random.key(seed)
    k1, k2, k3, k4, k5, k6 = jax.random.split(key, 6)
    x_num = jax.random.normal(k1, (B, N_NUM), dtype=jnp.float32)
    x_cat = jax.random.randint(k2, (B, N_FIELDS), 0, VOCAB, dtype=jnp.int64)
    bias = jnp.zeros((1,), dtype=jnp.float32)
    # nn.Linear(n_num, 1, bias=False): weight shape [1, n_num]
    W_num = jax.random.normal(k3, (1, N_NUM), dtype=jnp.float32) * 0.01
    # per-field linear embeddings stacked: [F, V, 1]
    lin_cat = jax.random.normal(k4, (N_FIELDS, VOCAB, 1), dtype=jnp.float32) * 0.01
    v_num = jax.random.normal(k5, (N_NUM, K), dtype=jnp.float32) * 0.01
    # per-field factor embeddings stacked: [F, V, K]
    v_cat = jax.random.normal(k6, (N_FIELDS, VOCAB, K), dtype=jnp.float32) * 0.01
    return {"x_num": x_num, "x_cat": x_cat, "bias": bias, "W_num": W_num,
            "lin_cat": lin_cat, "v_num": v_num, "v_cat": v_cat}


def reference(x_num, x_cat, bias, W_num, lin_cat, v_num, v_cat):
    # linear terms
    out = bias + x_num @ W_num.T  # [B, 1]
    lin_g = jax.vmap(lambda table, idx: jnp.take(table, idx, axis=0), in_axes=(0, 1))(lin_cat, x_cat)  # [F, B, 1]
    out = out + lin_g.sum(axis=0)
    # factor terms
    vn = x_num[:, :, None] * v_num[None, :, :]  # [B, n_num, K]
    vc = jax.vmap(lambda table, idx: jnp.take(table, idx, axis=0), in_axes=(0, 1))(v_cat, x_cat)  # [F, B, K]
    vc = jnp.transpose(vc, (1, 0, 2))  # [B, F, K]
    v = jnp.concatenate([vn, vc], axis=1)  # [B, n_num + F, K]
    # dropout=0.0 -> identity
    sum_v = v.sum(axis=1)  # [B, K]
    sum_v_sq = sum_v * sum_v
    v_sq_sum = (v * v).sum(axis=1)
    interactions = 0.5 * (sum_v_sq - v_sq_sum).sum(axis=1, keepdims=True)  # [B, 1]
    return out + interactions

if __name__ == "__main__":
    import jax
    _d = setup_inputs()
    print(jax.jit(kernel)(*tuple(_d.values())))

</pallas_src>

<mosaic_0001>
#map = affine_map<(d0, d1) -> (0, 0, 0)>
#map1 = affine_map<(d0, d1) -> (0)>
module attributes {stable_mosaic.version = 14 : i64} {
  func.func @k(%arg0: i32, %arg1: i32, %arg2: memref<26x16x100000xf32, #tpu.memory_space<hbm>>, %arg3: memref<26x1x100000xf32, #tpu.memory_space<hbm>>, %arg4: memref<425984xi32, #tpu.memory_space<hbm>>, %arg5: memref<786432xf32, #tpu.memory_space<hbm>>, %arg6: memref<100000xf32, #tpu.memory_space<vmem>>, %arg7: memref<8192xi32, #tpu.memory_space<vmem>>, %arg8: memref<8192xf32, #tpu.memory_space<vmem>>, %arg9: memref<8192xf32, #tpu.memory_space<vmem>>, %arg10: memref<!tpu.dma_semaphore, #tpu.memory_space<semaphore_mem>>, %arg11: memref<!tpu.dma_semaphore, #tpu.memory_space<semaphore_mem>>) attributes {dimension_semantics = [#tpu.dimension_semantics<core_parallel>, #tpu.dimension_semantics<subcore_parallel>], iteration_bounds = array<i64: 2, 16>, scalar_prefetch = 0 : i64, scratch_operands = 6 : i64, tpu.core_type = #tpu.core_type<sc_vector_subcore>, window_params = [{transform_indices = #map}, {transform_indices = #map}, {transform_indices = #map1}, {transform_indices = #map1}]} {
    %mul3A = arith.constant 8192 : i32
    %mul3A_0 = arith.muli %arg0, %mul3A : i32
    %scan3A = arith.constant 0 : i32
    %scan3A_1 = arith.constant 512 : i32
    %scan3A_2 = arith.addi %scan3A, %scan3A_1 : i32
    %scan3A_3 = arith.constant 1 : i32
    scf.for %scan3A_69 = %scan3A to %scan3A_2 step %scan3A_3  : i32 {
      %mul3A_70 = arith.constant 16 : i32
      %mul3A_71 = arith.muli %scan3A_69, %mul3A_70 : i32
      %add3A_72 = arith.constant 0 : i32
      %add3A_73 = arith.addi %add3A_72, %mul3A_71 : i32
      %broadcast_in_dim3A = arith.constant 0.000000e+00 : f32
      %broadcast_in_dim3A_74 = vector.broadcast %broadcast_in_dim3A : f32 to vector<16xf32>
      %swap3A = arith.index_cast %add3A_73 : i32 to index
      %swap3A_75 = tpu.vector_load %arg8[%swap3A] {strides = array<i32>} : memref<8192xf32, #tpu.memory_space<vmem>>, vector<16xf32>,
      tpu.vector_store %arg8[%swap3A], %broadcast_in_dim3A_74 {strides = array<i32>} : memref<8192xf32, #tpu.memory_space<vmem>>, vector<16xf32>,
      %swap3A_76 = arith.index_cast %add3A_73 : i32 to index
      %swap3A_77 = tpu.vector_load %arg9[%swap3A_76] {strides = array<i32>} : memref<8192xf32, #tpu.memory_space<vmem>>, vector<16xf32>,
      tpu.vector_store %arg9[%swap3A_76], %broadcast_in_dim3A_74 {strides = array<i32>} : memref<8192xf32, #tpu.memory_space<vmem>>, vector<16xf32>,
    }
    %scan3A_4 = arith.constant 512 : i32
    %scan3A_5 = arith.constant 0 : i32
    %scan3A_6 = arith.constant 26 : i32
    %scan3A_7 = arith.addi %scan3A_5, %scan3A_6 : i32
    %scan3A_8 = arith.constant 1 : i32
    scf.for %scan3A_69 = %scan3A_5 to %scan3A_7 step %scan3A_8  : i32 {
      %mul3A_70 = arith.constant 1 : i32
      %mul3A_71 = arith.muli %scan3A_69, %mul3A_70 : i32
      %add3A_72 = arith.constant 0 : i32
      %add3A_73 = arith.addi %add3A_72, %mul3A_71 : i32
      %dma_start3A_74 = arith.constant 0 : i32
      %dma_start3A_75 = tpu.memref_slice %arg2[%add3A_73, %arg1, %dma_start3A_74] : memref<26x16x100000xf32, #tpu.memory_space<hbm>> -> memref<1x1x100000xf32, #tpu.memory_space<hbm>>
      %dma_start3A_76 = tpu.memref_squeeze %dma_start3A_75 : memref<1x1x100000xf32, #tpu.memory_space<hbm>> -> memref<100000xf32, #tpu.memory_space<hbm>>
      %dma_start3A_77 = arith.constant 0 : i32
      %dma_start3A_78 = tpu.memref_slice %arg2[%add3A_73, %arg1, %dma_start3A_77] : memref<26x16x100000xf32, #tpu.memory_space<hbm>> -> memref<1x1x100000xf32, #tpu.memory_space<hbm>>
      %dma_start3A_79 = tpu.memref_squeeze %dma_start3A_78 : memref<1x1x100000xf32, #tpu.memory_space<hbm>> -> memref<100000xf32, #tpu.memory_space<hbm>>
      tpu.enqueue_dma source(%dma_start3A_79 : memref<100000xf32, #tpu.memory_space<hbm>>) target(%arg6 : memref<100000xf32, #tpu.memory_space<vmem>>) target_semaphore(%arg10 : memref<!tpu.dma_semaphore, #tpu.memory_space<semaphore_mem>>)
      %mul3A_80 = arith.constant 16384 : i32
      %mul3A_81 = arith.muli %add3A_73, %mul3A_80 : i32
      %add3A_82 = arith.addi %mul3A_81, %mul3A_0 : i32
      %dma_start3A_83 = tpu.memref_slice %arg4[%add3A_82] : memref<425984xi32, #tpu.memory_space<hbm>> -> memref<8192xi32, #tpu.memory_space<hbm>>
      %dma_start3A_84 = tpu.memref_slice %arg4[%add3A_82] : memref<425984xi32, #tpu.memory_space<hbm>> -> memref<8192xi32, #tpu.memory_space<hbm>>
      tpu.enqueue_dma source(%dma_start3A_84 : memref<8192xi32, #tpu.memory_space<hbm>>) target(%arg7 : memref<8192xi32, #tpu.memory_space<vmem>>) target_semaphore(%arg11 : memref<!tpu.dma_semaphore, #tpu.memory_space<semaphore_mem>>)
      %dma_wait3A_85 = arith.constant 0 : i32
      %dma_wait3A_86 = tpu.memref_slice %arg2[%add3A_73, %arg1, %dma_wait3A_85] : memref<26x16x100000xf32, #tpu.memory_space<hbm>> -> memref<1x1x100000xf32, #tpu.memory_space<hbm>>
      %dma_wait3A_87 = tpu.memref_squeeze %dma_wait3A_86 : memref<1x1x100000xf32, #tpu.memory_space<hbm>> -> memref<100000xf32, #tpu.memory_space<hbm>>
      %dma_wait3A_88 = arith.constant 0 : i32
      %dma_wait3A_89 = tpu.memref_slice %arg2[%add3A_73, %arg1, %dma_wait3A_88] : memref<26x16x100000xf32, #tpu.memory_space<hbm>> -> memref<1x1x100000xf32, #tpu.memory_space<hbm>>
      %dma_wait3A_90 = tpu.memref_squeeze %dma_wait3A_89 : memref<1x1x100000xf32, #tpu.memory_space<hbm>> -> memref<100000xf32, #tpu.memory_space<hbm>>
      tpu.wait_dma2 semaphore(%arg10 : memref<!tpu.dma_semaphore, #tpu.memory_space<semaphore_mem>>) src(%dma_wait3A_90 : memref<100000xf32, #tpu.memory_space<hbm>>) dst(%arg6 : memref<100000xf32, #tpu.memory_space<vmem>>)
      %dma_wait3A_91 = tpu.memref_slice %arg4[%add3A_82] : memref<425984xi32, #tpu.memory_space<hbm>> -> memref<8192xi32, #tpu.memory_space<hbm>>
      %dma_wait3A_92 = tpu.memref_slice %arg4[%add3A_82] : memref<425984xi32, #tpu.memory_space<hbm>> -> memref<8192xi32, #tpu.memory_space<hbm>>
      tpu.wait_dma2 semaphore(%arg11 : memref<!tpu.dma_semaphore, #tpu.memory_space<semaphore_mem>>) src(%dma_wait3A_92 : memref<8192xi32, #tpu.memory_space<hbm>>) dst(%arg7 : memref<8192xi32, #tpu.memory_space<vmem>>)
      %scan3A_93 = arith.constant 0 : i32
      %scan3A_94 = arith.constant 128 : i32
      %scan3A_95 = arith.addi %scan3A_93, %scan3A_94 : i32
      %scan3A_96 = arith.constant 1 : i32
      scf.for %scan3A_98 = %scan3A_93 to %scan3A_95 step %scan3A_96  : i32 {
        %mul3A_99 = arith.constant 64 : i32
        %mul3A_100 = arith.muli %scan3A_98, %mul3A_99 : i32
        %add3A_101 = arith.constant 0 : i32
        %add3A_102 = arith.addi %add3A_101, %mul3A_100 : i32
        %add3A_103 = arith.constant 0 : i32
        %add3A_104 = arith.addi %add3A_102, %add3A_103 : i32
        %get3A = arith.index_cast %add3A_104 : i32 to index
        %get3A_105 = tpu.vector_load %arg7[%get3A] {strides = array<i32>} : memref<8192xi32, #tpu.memory_space<vmem>>, vector<16xi32>,
        %gather3A = tpu.vector_load_idx %arg6[%get3A_105] : memref<100000xf32, #tpu.memory_space<vmem>>[vector<16xi32>], vector<16xf32>,
        %get3A_106 = arith.index_cast %add3A_104 : i32 to index
        %get3A_107 = tpu.vector_load %arg8[%get3A_106] {strides = array<i32>} : memref<8192xf32, #tpu.memory_space<vmem>>, vector<16xf32>,
        %add3A_108 = arith.addf %get3A_107, %gather3A : vector<16xf32>
        %swap3A = arith.index_cast %add3A_104 : i32 to index
        %swap3A_109 = tpu.vector_load %arg8[%swap3A] {strides = array<i32>} : memref<8192xf32, #tpu.memory_space<vmem>>, vector<16xf32>,
        tpu.vector_store %arg8[%swap3A], %add3A_108 {strides = array<i32>} : memref<8192xf32, #tpu.memory_space<vmem>>, vector<16xf32>,
        %get3A_110 = arith.index_cast %add3A_104 : i32 to index
        %get3A_111 = tpu.vector_load %arg9[%get3A_110] {strides = array<i32>} : memref<8192xf32, #tpu.memory_space<vmem>>, vector<16xf32>,
        %mul3A_112 = arith.mulf %gather3A, %gather3A : vector<16xf32>
        %add3A_113 = arith.addf %get3A_111, %mul3A_112 : vector<16xf32>
        %swap3A_114 = arith.index_cast %add3A_104 : i32 to index
        %swap3A_115 = tpu.vector_load %arg9[%swap3A_114] {strides = array<i32>} : memref<8192xf32, #tpu.memory_space<vmem>>, vector<16xf32>,
        tpu.vector_store %arg9[%swap3A_114], %add3A_113 {strides = array<i32>} : memref<8192xf32, #tpu.memory_space<vmem>>, vector<16xf32>,
        %add3A_116 = arith.constant 16 : i32
        %add3A_117 = arith.addi %add3A_102, %add3A_116 : i32
        %get3A_118 = arith.index_cast %add3A_117 : i32 to index
        %get3A_119 = tpu.vector_load %arg7[%get3A_118] {strides = array<i32>} : memref<8192xi32, #tpu.memory_space<vmem>>, vector<16xi32>,
        %gather3A_120 = tpu.vector_load_idx %arg6[%get3A_119] : memref<100000xf32, #tpu.memory_space<vmem>>[vector<16xi32>], vector<16xf32>,
        %get3A_121 = arith.index_cast %add3A_117 : i32 to index
        %get3A_122 = tpu.vector_load %arg8[%get3A_121] {strides = array<i32>} : memref<8192xf32, #tpu.memory_space<vmem>>, vector<16xf32>,
        %add3A_123 = arith.addf %get3A_122, %gather3A_120 : vector<16xf32>
        %swap3A_124 = arith.index_cast %add3A_117 : i32 to index
        %swap3A_125 = tpu.vector_load %arg8[%swap3A_124] {strides = array<i32>} : memref<8192xf32, #tpu.memory_space<vmem>>, vector<16xf32>,
        tpu.vector_store %arg8[%swap3A_124], %add3A_123 {strides = array<i32>} : memref<8192xf32, #tpu.memory_space<vmem>>, vector<16xf32>,
        %get3A_126 = arith.index_cast %add3A_117 : i32 to index
        %get3A_127 = tpu.vector_load %arg9[%get3A_126] {strides = array<i32>} : memref<8192xf32, #tpu.memory_space<vmem>>, vector<16xf32>,
        %mul3A_128 = arith.mulf %gather3A_120, %gather3A_120 : vector<16xf32>
        %add3A_129 = arith.addf %get3A_127, %mul3A_128 : vector<16xf32>
        %swap3A_130 = arith.index_cast %add3A_117 : i32 to index
        %swap3A_131 = tpu.vector_load %arg9[%swap3A_130] {strides = array<i32>} : memref<8192xf32, #tpu.memory_space<vmem>>, vector<16xf32>,
        tpu.vector_store %arg9[%swap3A_130], %add3A_129 {strides = array<i32>} : memref<8192xf32, #tpu.memory_space<vmem>>, vector<16xf32>,
        %add3A_132 = arith.constant 32 : i32
        %add3A_133 = arith.addi %add3A_102, %add3A_132 : i32
        %get3A_134 = arith.index_cast %add3A_133 : i32 to index
        %get3A_135 = tpu.vector_load %arg7[%get3A_134] {strides = array<i32>} : memref<8192xi32, #tpu.memory_space<vmem>>, vector<16xi32>,
        %gather3A_136 = tpu.vector_load_idx %arg6[%get3A_135] : memref<100000xf32, #tpu.memory_space<vmem>>[vector<16xi32>], vector<16xf32>,
        %get3A_137 = arith.index_cast %add3A_133 : i32 to index
        %get3A_138 = tpu.vector_load %arg8[%get3A_137] {strides = array<i32>} : memref<8192xf32, #tpu.memory_space<vmem>>, vector<16xf32>,
        %add3A_139 = arith.addf %get3A_138, %gather3A_136 : vector<16xf32>
        %swap3A_140 = arith.index_cast %add3A_133 : i32 to index
        %swap3A_141 = tpu.vector_load %arg8[%swap3A_140] {strides = array<i32>} : memref<8192xf32, #tpu.memory_space<vmem>>, vector<16xf32>,
        tpu.vector_store %arg8[%swap3A_140], %add3A_139 {strides = array<i32>} : memref<8192xf32, #tpu.memory_space<vmem>>, vector<16xf32>,
        %get3A_142 = arith.index_cast %add3A_133 : i32 to index
        %get3A_143 = tpu.vector_load %arg9[%get3A_142] {strides = array<i32>} : memref<8192xf32, #tpu.memory_space<vmem>>, vector<16xf32>,
        %mul3A_144 = arith.mulf %gather3A_136, %gather3A_136 : vector<16xf32>
        %add3A_145 = arith.addf %get3A_143, %mul3A_144 : vector<16xf32>
        %swap3A_146 = arith.index_cast %add3A_133 : i32 to index
        %swap3A_147 = tpu.vector_load %arg9[%swap3A_146] {strides = array<i32>} : memref<8192xf32, #tpu.memory_space<vmem>>, vector<16xf32>,
        tpu.vector_store %arg9[%swap3A_146], %add3A_145 {strides = array<i32>} : memref<8192xf32, #tpu.memory_space<vmem>>, vector<16xf32>,
        %add3A_148 = arith.constant 48 : i32
        %add3A_149 = arith.addi %add3A_102, %add3A_148 : i32
        %get3A_150 = arith.index_cast %add3A_149 : i32 to index
        %get3A_151 = tpu.vector_load %arg7[%get3A_150] {strides = array<i32>} : memref<8192xi32, #tpu.memory_space<vmem>>, vector<16xi32>,
        %gather3A_152 = tpu.vector_load_idx %arg6[%get3A_151] : memref<100000xf32, #tpu.memory_space<vmem>>[vector<16xi32>], vector<16xf32>,
        %get3A_153 = arith.index_cast %add3A_149 : i32 to index
        %get3A_154 = tpu.vector_load %arg8[%get3A_153] {strides = array<i32>} : memref<8192xf32, #tpu.memory_space<vmem>>, vector<16xf32>,
        %add3A_155 = arith.addf %get3A_154, %gather3A_152 : vector<16xf32>
        %swap3A_156 = arith.index_cast %add3A_149 : i32 to index
        %swap3A_157 = tpu.vector_load %arg8[%swap3A_156] {strides = array<i32>} : memref<8192xf32, #tpu.memory_space<vmem>>, vector<16xf32>,
        tpu.vector_store %arg8[%swap3A_156], %add3A_155 {strides = array<i32>} : memref<8192xf32, #tpu.memory_space<vmem>>, vector<16xf32>,
        %get3A_158 = arith.index_cast %add3A_149 : i32 to index
        %get3A_159 = tpu.vector_load %arg9[%get3A_158] {strides = array<i32>} : memref<8192xf32, #tpu.memory_space<vmem>>, vector<16xf32>,
        %mul3A_160 = arith.mulf %gather3A_152, %gather3A_152 : vector<16xf32>
        %add3A_161 = arith.addf %get3A_159, %mul3A_160 : vector<16xf32>
        %swap3A_162 = arith.index_cast %add3A_149 : i32 to index
        %swap3A_163 = tpu.vector_load %arg9[%swap3A_162] {strides = array<i32>} : memref<8192xf32, #tpu.memory_space<vmem>>, vector<16xf32>,
        tpu.vector_store %arg9[%swap3A_162], %add3A_161 {strides = array<i32>} : memref<8192xf32, #tpu.memory_space<vmem>>, vector<16xf32>,
      }
      %scan3A_97 = arith.constant 128 : i32
    }
    %scan3A_9 = arith.constant 26 : i32
    %mul3A_10 = arith.constant 3 : i32
    %mul3A_11 = arith.muli %arg0, %mul3A_10 : i32
    %add3A = arith.constant 0 : i32
    %add3A_12 = arith.addi %mul3A_11, %add3A : i32
    %mul3A_13 = arith.constant 16 : i32
    %mul3A_14 = arith.muli %add3A_12, %mul3A_13 : i32
    %add3A_15 = arith.addi %mul3A_14, %arg1 : i32
    %mul3A_16 = arith.constant 8192 : i32
    %mul3A_17 = arith.muli %add3A_15, %mul3A_16 : i32
    "tpu.region"() ({
      %run_scoped3A = tpu.sem_alloc : memref<!tpu.dma_semaphore, #tpu.memory_space<semaphore_mem>>
      %dma_start3A_69 = tpu.memref_slice %arg5[%mul3A_17] : memref<786432xf32, #tpu.memory_space<hbm>> -> memref<8192xf32, #tpu.memory_space<hbm>>
      %dma_start3A_70 = tpu.memref_slice %arg5[%mul3A_17] : memref<786432xf32, #tpu.memory_space<hbm>> -> memref<8192xf32, #tpu.memory_space<hbm>>
      tpu.enqueue_dma source(%arg8 : memref<8192xf32, #tpu.memory_space<vmem>>) target(%dma_start3A_70 : memref<8192xf32, #tpu.memory_space<hbm>>) target_semaphore(%run_scoped3A : memref<!tpu.dma_semaphore, #tpu.memory_space<semaphore_mem>>)
      %dma_wait3A_71 = tpu.memref_slice %arg5[%mul3A_17] : memref<786432xf32, #tpu.memory_space<hbm>> -> memref<8192xf32, #tpu.memory_space<hbm>>
      %dma_wait3A_72 = tpu.memref_slice %arg5[%mul3A_17] : memref<786432xf32, #tpu.memory_space<hbm>> -> memref<8192xf32, #tpu.memory_space<hbm>>
      tpu.wait_dma2 semaphore(%run_scoped3A : memref<!tpu.dma_semaphore, #tpu.memory_space<semaphore_mem>>) src(%arg8 : memref<8192xf32, #tpu.memory_space<vmem>>) dst(%dma_wait3A_72 : memref<8192xf32, #tpu.memory_space<hbm>>)
      tpu.yield
    }) : () -> ()
    %mul3A_18 = arith.constant 3 : i32
    %mul3A_19 = arith.muli %arg0, %mul3A_18 : i32
    %add3A_20 = arith.constant 1 : i32
    %add3A_21 = arith.addi %mul3A_19, %add3A_20 : i32
    %mul3A_22 = arith.constant 16 : i32
    %mul3A_23 = arith.muli %add3A_21, %mul3A_22 : i32
    %add3A_24 = arith.addi %mul3A_23, %arg1 : i32
    %mul3A_25 = arith.constant 8192 : i32
    %mul3A_26 = arith.muli %add3A_24, %mul3A_25 : i32
    "tpu.region"() ({
      %run_scoped3A = tpu.sem_alloc : memref<!tpu.dma_semaphore, #tpu.memory_space<semaphore_mem>>
      %dma_start3A_69 = tpu.memref_slice %arg5[%mul3A_26] : memref<786432xf32, #tpu.memory_space<hbm>> -> memref<8192xf32, #tpu.memory_space<hbm>>
      %dma_start3A_70 = tpu.memref_slice %arg5[%mul3A_26] : memref<786432xf32, #tpu.memory_space<hbm>> -> memref<8192xf32, #tpu.memory_space<hbm>>
      tpu.enqueue_dma source(%arg9 : memref<8192xf32, #tpu.memory_space<vmem>>) target(%dma_start3A_70 : memref<8192xf32, #tpu.memory_space<hbm>>) target_semaphore(%run_scoped3A : memref<!tpu.dma_semaphore, #tpu.memory_space<semaphore_mem>>)
      %dma_wait3A_71 = tpu.memref_slice %arg5[%mul3A_26] : memref<786432xf32, #tpu.memory_space<hbm>> -> memref<8192xf32, #tpu.memory_space<hbm>>
      %dma_wait3A_72 = tpu.memref_slice %arg5[%mul3A_26] : memref<786432xf32, #tpu.memory_space<hbm>> -> memref<8192xf32, #tpu.memory_space<hbm>>
      tpu.wait_dma2 semaphore(%run_scoped3A : memref<!tpu.dma_semaphore, #tpu.memory_space<semaphore_mem>>) src(%arg9 : memref<8192xf32, #tpu.memory_space<vmem>>) dst(%dma_wait3A_72 : memref<8192xf32, #tpu.memory_space<hbm>>)
      tpu.yield
    }) : () -> ()
    %scan3A_27 = arith.constant 0 : i32
    %scan3A_28 = arith.constant 512 : i32
    %scan3A_29 = arith.addi %scan3A_27, %scan3A_28 : i32
    %scan3A_30 = arith.constant 1 : i32
    scf.for %scan3A_69 = %scan3A_27 to %scan3A_29 step %scan3A_30  : i32 {
      %mul3A_70 = arith.constant 16 : i32
      %mul3A_71 = arith.muli %scan3A_69, %mul3A_70 : i32
      %add3A_72 = arith.constant 0 : i32
      %add3A_73 = arith.addi %add3A_72, %mul3A_71 : i32
      %broadcast_in_dim3A = arith.constant 0.000000e+00 : f32
      %broadcast_in_dim3A_74 = vector.broadcast %broadcast_in_dim3A : f32 to vector<16xf32>
      %swap3A = arith.index_cast %add3A_73 : i32 to index
      %swap3A_75 = tpu.vector_load %arg8[%swap3A] {strides = array<i32>} : memref<8192xf32, #tpu.memory_space<vmem>>, vector<16xf32>,
      tpu.vector_store %arg8[%swap3A], %broadcast_in_dim3A_74 {strides = array<i32>} : memref<8192xf32, #tpu.memory_space<vmem>>, vector<16xf32>,
    }
    %scan3A_31 = arith.constant 512 : i32
    %dma_start3A = arith.constant 0 : i32
    %dma_start3A_32 = arith.constant 0 : i32
    %dma_start3A_33 = tpu.memref_slice %arg3[%arg1, %dma_start3A, %dma_start3A_32] : memref<26x1x100000xf32, #tpu.memory_space<hbm>> -> memref<1x1x100000xf32, #tpu.memory_space<hbm>>
    %dma_start3A_34 = tpu.memref_squeeze %dma_start3A_33 : memref<1x1x100000xf32, #tpu.memory_space<hbm>> -> memref<100000xf32, #tpu.memory_space<hbm>>
    %dma_start3A_35 = arith.constant 0 : i32
    %dma_start3A_36 = tpu.memref_slice %arg3[%arg1, %dma_start3A, %dma_start3A_35] : memref<26x1x100000xf32, #tpu.memory_space<hbm>> -> memref<1x1x100000xf32, #tpu.memory_space<hbm>>
    %dma_start3A_37 = tpu.memref_squeeze %dma_start3A_36 : memref<1x1x100000xf32, #tpu.memory_space<hbm>> -> memref<100000xf32, #tpu.memory_space<hbm>>
    tpu.enqueue_dma source(%dma_start3A_37 : memref<100000xf32, #tpu.memory_space<hbm>>) target(%arg6 : memref<100000xf32, #tpu.memory_space<vmem>>) target_semaphore(%arg10 : memref<!tpu.dma_semaphore, #tpu.memory_space<semaphore_mem>>)
    %mul3A_38 = arith.constant 16384 : i32
    %mul3A_39 = arith.muli %arg1, %mul3A_38 : i32
    %add3A_40 = arith.addi %mul3A_39, %mul3A_0 : i32
    %dma_start3A_41 = tpu.memref_slice %arg4[%add3A_40] : memref<425984xi32, #tpu.memory_space<hbm>> -> memref<8192xi32, #tpu.memory_space<hbm>>
    %dma_start3A_42 = tpu.memref_slice %arg4[%add3A_40] : memref<425984xi32, #tpu.memory_space<hbm>> -> memref<8192xi32, #tpu.memory_space<hbm>>
    tpu.enqueue_dma source(%dma_start3A_42 : memref<8192xi32, #tpu.memory_space<hbm>>) target(%arg7 : memref<8192xi32, #tpu.memory_space<vmem>>) target_semaphore(%arg11 : memref<!tpu.dma_semaphore, #tpu.memory_space<semaphore_mem>>)
    %dma_wait3A = arith.constant 0 : i32
    %dma_wait3A_43 = arith.constant 0 : i32
    %dma_wait3A_44 = tpu.memref_slice %arg3[%arg1, %dma_wait3A, %dma_wait3A_43] : memref<26x1x100000xf32, #tpu.memory_space<hbm>> -> memref<1x1x100000xf32, #tpu.memory_space<hbm>>
    %dma_wait3A_45 = tpu.memref_squeeze %dma_wait3A_44 : memref<1x1x100000xf32, #tpu.memory_space<hbm>> -> memref<100000xf32, #tpu.memory_space<hbm>>
    %dma_wait3A_46 = arith.constant 0 : i32
    %dma_wait3A_47 = tpu.memref_slice %arg3[%arg1, %dma_wait3A, %dma_wait3A_46] : memref<26x1x100000xf32, #tpu.memory_space<hbm>> -> memref<1x1x100000xf32, #tpu.memory_space<hbm>>
    %dma_wait3A_48 = tpu.memref_squeeze %dma_wait3A_47 : memref<1x1x100000xf32, #tpu.memory_space<hbm>> -> memref<100000xf32, #tpu.memory_space<hbm>>
    tpu.wait_dma2 semaphore(%arg10 : memref<!tpu.dma_semaphore, #tpu.memory_space<semaphore_mem>>) src(%dma_wait3A_48 : memref<100000xf32, #tpu.memory_space<hbm>>) dst(%arg6 : memref<100000xf32, #tpu.memory_space<vmem>>)
    %dma_wait3A_49 = tpu.memref_slice %arg4[%add3A_40] : memref<425984xi32, #tpu.memory_space<hbm>> -> memref<8192xi32, #tpu.memory_space<hbm>>
    %dma_wait3A_50 = tpu.memref_slice %arg4[%add3A_40] : memref<425984xi32, #tpu.memory_space<hbm>> -> memref<8192xi32, #tpu.memory_space<hbm>>
    tpu.wait_dma2 semaphore(%arg11 : memref<!tpu.dma_semaphore, #tpu.memory_space<semaphore_mem>>) src(%dma_wait3A_50 : memref<8192xi32, #tpu.memory_space<hbm>>) dst(%arg7 : memref<8192xi32, #tpu.memory_space<vmem>>)
    %scan3A_51 = arith.constant 0 : i32
    %scan3A_52 = arith.constant 128 : i32
    %scan3A_53 = arith.addi %scan3A_51, %scan3A_52 : i32
    %scan3A_54 = arith.constant 1 : i32
    scf.for %scan3A_69 = %scan3A_51 to %scan3A_53 step %scan3A_54  : i32 {
      %mul3A_70 = arith.constant 64 : i32
      %mul3A_71 = arith.muli %scan3A_69, %mul3A_70 : i32
      %add3A_72 = arith.constant 0 : i32
      %add3A_73 = arith.addi %add3A_72, %mul3A_71 : i32
      %add3A_74 = arith.constant 0 : i32
      %add3A_75 = arith.addi %add3A_73, %add3A_74 : i32
      %get3A = arith.index_cast %add3A_75 : i32 to index
      %get3A_76 = tpu.vector_load %arg7[%get3A] {strides = array<i32>} : memref<8192xi32, #tpu.memory_space<vmem>>, vector<16xi32>,
      %gather3A = tpu.vector_load_idx %arg6[%get3A_76] : memref<100000xf32, #tpu.memory_space<vmem>>[vector<16xi32>], vector<16xf32>,
      %get3A_77 = arith.index_cast %add3A_75 : i32 to index
      %get3A_78 = tpu.vector_load %arg8[%get3A_77] {strides = array<i32>} : memref<8192xf32, #tpu.memory_space<vmem>>, vector<16xf32>,
      %add3A_79 = arith.addf %get3A_78, %gather3A : vector<16xf32>
      %swap3A = arith.index_cast %add3A_75 : i32 to index
      %swap3A_80 = tpu.vector_load %arg8[%swap3A] {strides = array<i32>} : memref<8192xf32, #tpu.memory_space<vmem>>, vector<16xf32>,
      tpu.vector_store %arg8[%swap3A], %add3A_79 {strides = array<i32>} : memref<8192xf32, #tpu.memory_space<vmem>>, vector<16xf32>,
      %add3A_81 = arith.constant 16 : i32
      %add3A_82 = arith.addi %add3A_73, %add3A_81 : i32
      %get3A_83 = arith.index_cast %add3A_82 : i32 to index
      %get3A_84 = tpu.vector_load %arg7[%get3A_83] {strides = array<i32>} : memref<8192xi32, #tpu.memory_space<vmem>>, vector<16xi32>,
      %gather3A_85 = tpu.vector_load_idx %arg6[%get3A_84] : memref<100000xf32, #tpu.memory_space<vmem>>[vector<16xi32>], vector<16xf32>,
      %get3A_86 = arith.index_cast %add3A_82 : i32 to index
      %get3A_87 = tpu.vector_load %arg8[%get3A_86] {strides = array<i32>} : memref<8192xf32, #tpu.memory_space<vmem>>, vector<16xf32>,
      %add3A_88 = arith.addf %get3A_87, %gather3A_85 : vector<16xf32>
      %swap3A_89 = arith.index_cast %add3A_82 : i32 to index
      %swap3A_90 = tpu.vector_load %arg8[%swap3A_89] {strides = array<i32>} : memref<8192xf32, #tpu.memory_space<vmem>>, vector<16xf32>,
      tpu.vector_store %arg8[%swap3A_89], %add3A_88 {strides = array<i32>} : memref<8192xf32, #tpu.memory_space<vmem>>, vector<16xf32>,
      %add3A_91 = arith.constant 32 : i32
      %add3A_92 = arith.addi %add3A_73, %add3A_91 : i32
      %get3A_93 = arith.index_cast %add3A_92 : i32 to index
      %get3A_94 = tpu.vector_load %arg7[%get3A_93] {strides = array<i32>} : memref<8192xi32, #tpu.memory_space<vmem>>, vector<16xi32>,
      %gather3A_95 = tpu.vector_load_idx %arg6[%get3A_94] : memref<100000xf32, #tpu.memory_space<vmem>>[vector<16xi32>], vector<16xf32>,
      %get3A_96 = arith.index_cast %add3A_92 : i32 to index
      %get3A_97 = tpu.vector_load %arg8[%get3A_96] {strides = array<i32>} : memref<8192xf32, #tpu.memory_space<vmem>>, vector<16xf32>,
      %add3A_98 = arith.addf %get3A_97, %gather3A_95 : vector<16xf32>
      %swap3A_99 = arith.index_cast %add3A_92 : i32 to index
      %swap3A_100 = tpu.vector_load %arg8[%swap3A_99] {strides = array<i32>} : memref<8192xf32, #tpu.memory_space<vmem>>, vector<16xf32>,
      tpu.vector_store %arg8[%swap3A_99], %add3A_98 {strides = array<i32>} : memref<8192xf32, #tpu.memory_space<vmem>>, vector<16xf32>,
      %add3A_101 = arith.constant 48 : i32
      %add3A_102 = arith.addi %add3A_73, %add3A_101 : i32
      %get3A_103 = arith.index_cast %add3A_102 : i32 to index
      %get3A_104 = tpu.vector_load %arg7[%get3A_103] {strides = array<i32>} : memref<8192xi32, #tpu.memory_space<vmem>>, vector<16xi32>,
      %gather3A_105 = tpu.vector_load_idx %arg6[%get3A_104] : memref<100000xf32, #tpu.memory_space<vmem>>[vector<16xi32>], vector<16xf32>,
      %get3A_106 = arith.index_cast %add3A_102 : i32 to index
      %get3A_107 = tpu.vector_load %arg8[%get3A_106] {strides = array<i32>} : memref<8192xf32, #tpu.memory_space<vmem>>, vector<16xf32>,
      %add3A_108 = arith.addf %get3A_107, %gather3A_105 : vector<16xf32>
      %swap3A_109 = arith.index_cast %add3A_102 : i32 to index
      %swap3A_110 = tpu.vector_load %arg8[%swap3A_109] {strides = array<i32>} : memref<8192xf32, #tpu.memory_space<vmem>>, vector<16xf32>,
      tpu.vector_store %arg8[%swap3A_109], %add3A_108 {strides = array<i32>} : memref<8192xf32, #tpu.memory_space<vmem>>, vector<16xf32>,
    }
    %scan3A_55 = arith.constant 128 : i32
    %add3A_56 = arith.constant 16 : i32
    %add3A_57 = arith.addi %arg1, %add3A_56 : i32
    %lt3A = arith.constant 26 : i32
    %lt3A_58 = arith.cmpi slt, %add3A_57, %lt3A : i32
    %convert_element_type3A = arith.extui %lt3A_58 : i1 to i32
    %cond3A = arith.constant 0 : i32
    %cond3A_59 = arith.cmpi ne, %convert_element_type3A, %cond3A : i32
    scf.if %cond3A_59 {
      %add3A_69 = arith.constant 16 : i32
      %add3A_70 = arith.addi %arg1, %add3A_69 : i32
      %dma_start3A_71 = arith.constant 0 : i32
      %dma_start3A_72 = arith.constant 0 : i32
      %dma_start3A_73 = tpu.memref_slice %arg3[%add3A_70, %dma_start3A_71, %dma_start3A_72] : memref<26x1x100000xf32, #tpu.memory_space<hbm>> -> memref<1x1x100000xf32, #tpu.memory_space<hbm>>
      %dma_start3A_74 = tpu.memref_squeeze %dma_start3A_73 : memref<1x1x100000xf32, #tpu.memory_space<hbm>> -> memref<100000xf32, #tpu.memory_space<hbm>>
      %dma_start3A_75 = arith.constant 0 : i32
      %dma_start3A_76 = tpu.memref_slice %arg3[%add3A_70, %dma_start3A_71, %dma_start3A_75] : memref<26x1x100000xf32, #tpu.memory_space<hbm>> -> memref<1x1x100000xf32, #tpu.memory_space<hbm>>
      %dma_start3A_77 = tpu.memref_squeeze %dma_start3A_76 : memref<1x1x100000xf32, #tpu.memory_space<hbm>> -> memref<100000xf32, #tpu.memory_space<hbm>>
      tpu.enqueue_dma source(%dma_start3A_77 : memref<100000xf32, #tpu.memory_space<hbm>>) target(%arg6 : memref<100000xf32, #tpu.memory_space<vmem>>) target_semaphore(%arg10 : memref<!tpu.dma_semaphore, #tpu.memory_space<semaphore_mem>>)
      %mul3A_78 = arith.constant 16384 : i32
      %mul3A_79 = arith.muli %add3A_70, %mul3A_78 : i32
      %add3A_80 = arith.addi %mul3A_79, %mul3A_0 : i32
      %dma_start3A_81 = tpu.memref_slice %arg4[%add3A_80] : memref<425984xi32, #tpu.memory_space<hbm>> -> memref<8192xi32, #tpu.memory_space<hbm>>
      %dma_start3A_82 = tpu.memref_slice %arg4[%add3A_80] : memref<425984xi32, #tpu.memory_space<hbm>> -> memref<8192xi32, #tpu.memory_space<hbm>>
      tpu.enqueue_dma source(%dma_start3A_82 : memref<8192xi32, #tpu.memory_space<hbm>>) target(%arg7 : memref<8192xi32, #tpu.memory_space<vmem>>) target_semaphore(%arg11 : memref<!tpu.dma_semaphore, #tpu.memory_space<semaphore_mem>>)
      %dma_wait3A_83 = arith.constant 0 : i32
      %dma_wait3A_84 = arith.constant 0 : i32
      %dma_wait3A_85 = tpu.memref_slice %arg3[%add3A_70, %dma_wait3A_83, %dma_wait3A_84] : memref<26x1x100000xf32, #tpu.memory_space<hbm>> -> memref<1x1x100000xf32, #tpu.memory_space<hbm>>
      %dma_wait3A_86 = tpu.memref_squeeze %dma_wait3A_85 : memref<1x1x100000xf32, #tpu.memory_space<hbm>> -> memref<100000xf32, #tpu.memory_space<hbm>>
      %dma_wait3A_87 = arith.constant 0 : i32
      %dma_wait3A_88 = tpu.memref_slice %arg3[%add3A_70, %dma_wait3A_83, %dma_wait3A_87] : memref<26x1x100000xf32, #tpu.memory_space<hbm>> -> memref<1x1x100000xf32, #tpu.memory_space<hbm>>
      %dma_wait3A_89 = tpu.memref_squeeze %dma_wait3A_88 : memref<1x1x100000xf32, #tpu.memory_space<hbm>> -> memref<100000xf32, #tpu.memory_space<hbm>>
      tpu.wait_dma2 semaphore(%arg10 : memref<!tpu.dma_semaphore, #tpu.memory_space<semaphore_mem>>) src(%dma_wait3A_89 : memref<100000xf32, #tpu.memory_space<hbm>>) dst(%arg6 : memref<100000xf32, #tpu.memory_space<vmem>>)
      %dma_wait3A_90 = tpu.memref_slice %arg4[%add3A_80] : memref<425984xi32, #tpu.memory_space<hbm>> -> memref<8192xi32, #tpu.memory_space<hbm>>
      %dma_wait3A_91 = tpu.memref_slice %arg4[%add3A_80] : memref<425984xi32, #tpu.memory_space<hbm>> -> memref<8192xi32, #tpu.memory_space<hbm>>
      tpu.wait_dma2 semaphore(%arg11 : memref<!tpu.dma_semaphore, #tpu.memory_space<semaphore_mem>>) src(%dma_wait3A_91 : memref<8192xi32, #tpu.memory_space<hbm>>) dst(%arg7 : memref<8192xi32, #tpu.memory_space<vmem>>)
      %scan3A_92 = arith.constant 0 : i32
      %scan3A_93 = arith.constant 128 : i32
      %scan3A_94 = arith.addi %scan3A_92, %scan3A_93 : i32
      %scan3A_95 = arith.constant 1 : i32
      scf.for %scan3A_97 = %scan3A_92 to %scan3A_94 step %scan3A_95  : i32 {
        %mul3A_98 = arith.constant 64 : i32
        %mul3A_99 = arith.muli %scan3A_97, %mul3A_98 : i32
        %add3A_100 = arith.constant 0 : i32
        %add3A_101 = arith.addi %add3A_100, %mul3A_99 : i32
        %add3A_102 = arith.constant 0 : i32
        %add3A_103 = arith.addi %add3A_101, %add3A_102 : i32
        %get3A = arith.index_cast %add3A_103 : i32 to index
        %get3A_104 = tpu.vector_load %arg7[%get3A] {strides = array<i32>} : memref<8192xi32, #tpu.memory_space<vmem>>, vector<16xi32>,
        %gather3A = tpu.vector_load_idx %arg6[%get3A_104] : memref<100000xf32, #tpu.memory_space<vmem>>[vector<16xi32>], vector<16xf32>,
        %get3A_105 = arith.index_cast %add3A_103 : i32 to index
        %get3A_106 = tpu.vector_load %arg8[%get3A_105] {strides = array<i32>} : memref<8192xf32, #tpu.memory_space<vmem>>, vector<16xf32>,
        %add3A_107 = arith.addf %get3A_106, %gather3A : vector<16xf32>
        %swap3A = arith.index_cast %add3A_103 : i32 to index
        %swap3A_108 = tpu.vector_load %arg8[%swap3A] {strides = array<i32>} : memref<8192xf32, #tpu.memory_space<vmem>>, vector<16xf32>,
        tpu.vector_store %arg8[%swap3A], %add3A_107 {strides = array<i32>} : memref<8192xf32, #tpu.memory_space<vmem>>, vector<16xf32>,
        %add3A_109 = arith.constant 16 : i32
        %add3A_110 = arith.addi %add3A_101, %add3A_109 : i32
        %get3A_111 = arith.index_cast %add3A_110 : i32 to index
        %get3A_112 = tpu.vector_load %arg7[%get3A_111] {strides = array<i32>} : memref<8192xi32, #tpu.memory_space<vmem>>, vector<16xi32>,
        %gather3A_113 = tpu.vector_load_idx %arg6[%get3A_112] : memref<100000xf32, #tpu.memory_space<vmem>>[vector<16xi32>], vector<16xf32>,
        %get3A_114 = arith.index_cast %add3A_110 : i32 to index
        %get3A_115 = tpu.vector_load %arg8[%get3A_114] {strides = array<i32>} : memref<8192xf32, #tpu.memory_space<vmem>>, vector<16xf32>,
        %add3A_116 = arith.addf %get3A_115, %gather3A_113 : vector<16xf32>
        %swap3A_117 = arith.index_cast %add3A_110 : i32 to index
        %swap3A_118 = tpu.vector_load %arg8[%swap3A_117] {strides = array<i32>} : memref<8192xf32, #tpu.memory_space<vmem>>, vector<16xf32>,
        tpu.vector_store %arg8[%swap3A_117], %add3A_116 {strides = array<i32>} : memref<8192xf32, #tpu.memory_space<vmem>>, vector<16xf32>,
        %add3A_119 = arith.constant 32 : i32
        %add3A_120 = arith.addi %add3A_101, %add3A_119 : i32
        %get3A_121 = arith.index_cast %add3A_120 : i32 to index
        %get3A_122 = tpu.vector_load %arg7[%get3A_121] {strides = array<i32>} : memref<8192xi32, #tpu.memory_space<vmem>>, vector<16xi32>,
        %gather3A_123 = tpu.vector_load_idx %arg6[%get3A_122] : memref<100000xf32, #tpu.memory_space<vmem>>[vector<16xi32>], vector<16xf32>,
        %get3A_124 = arith.index_cast %add3A_120 : i32 to index
        %get3A_125 = tpu.vector_load %arg8[%get3A_124] {strides = array<i32>} : memref<8192xf32, #tpu.memory_space<vmem>>, vector<16xf32>,
        %add3A_126 = arith.addf %get3A_125, %gather3A_123 : vector<16xf32>
        %swap3A_127 = arith.index_cast %add3A_120 : i32 to index
        %swap3A_128 = tpu.vector_load %arg8[%swap3A_127] {strides = array<i32>} : memref<8192xf32, #tpu.memory_space<vmem>>, vector<16xf32>,
        tpu.vector_store %arg8[%swap3A_127], %add3A_126 {strides = array<i32>} : memref<8192xf32, #tpu.memory_space<vmem>>, vector<16xf32>,
        %add3A_129 = arith.constant 48 : i32
        %add3A_130 = arith.addi %add3A_101, %add3A_129 : i32
        %get3A_131 = arith.index_cast %add3A_130 : i32 to index
        %get3A_132 = tpu.vector_load %arg7[%get3A_131] {strides = array<i32>} : memref<8192xi32, #tpu.memory_space<vmem>>, vector<16xi32>,
        %gather3A_133 = tpu.vector_load_idx %arg6[%get3A_132] : memref<100000xf32, #tpu.memory_space<vmem>>[vector<16xi32>], vector<16xf32>,
        %get3A_134 = arith.index_cast %add3A_130 : i32 to index
        %get3A_135 = tpu.vector_load %arg8[%get3A_134] {strides = array<i32>} : memref<8192xf32, #tpu.memory_space<vmem>>, vector<16xf32>,
        %add3A_136 = arith.addf %get3A_135, %gather3A_133 : vector<16xf32>
        %swap3A_137 = arith.index_cast %add3A_130 : i32 to index
        %swap3A_138 = tpu.vector_load %arg8[%swap3A_137] {strides = array<i32>} : memref<8192xf32, #tpu.memory_space<vmem>>, vector<16xf32>,
        tpu.vector_store %arg8[%swap3A_137], %add3A_136 {strides = array<i32>} : memref<8192xf32, #tpu.memory_space<vmem>>, vector<16xf32>,
      }
      %scan3A_96 = arith.constant 128 : i32
    } else {
    }
    %mul3A_60 = arith.constant 3 : i32
    %mul3A_61 = arith.muli %arg0, %mul3A_60 : i32
    %add3A_62 = arith.constant 2 : i32
    %add3A_63 = arith.addi %mul3A_61, %add3A_62 : i32
    %mul3A_64 = arith.constant 16 : i32
    %mul3A_65 = arith.muli %add3A_63, %mul3A_64 : i32
    %add3A_66 = arith.addi %mul3A_65, %arg1 : i32
    %mul3A_67 = arith.constant 8192 : i32
    %mul3A_68 = arith.muli %add3A_66, %mul3A_67 : i32
    "tpu.region"() ({
      %run_scoped3A = tpu.sem_alloc : memref<!tpu.dma_semaphore, #tpu.memory_space<semaphore_mem>>
      %dma_start3A_69 = tpu.memref_slice %arg5[%mul3A_68] : memref<786432xf32, #tpu.memory_space<hbm>> -> memref<8192xf32, #tpu.memory_space<hbm>>
      %dma_start3A_70 = tpu.memref_slice %arg5[%mul3A_68] : memref<786432xf32, #tpu.memory_space<hbm>> -> memref<8192xf32, #tpu.memory_space<hbm>>
      tpu.enqueue_dma source(%arg8 : memref<8192xf32, #tpu.memory_space<vmem>>) target(%dma_start3A_70 : memref<8192xf32, #tpu.memory_space<hbm>>) target_semaphore(%run_scoped3A : memref<!tpu.dma_semaphore, #tpu.memory_space<semaphore_mem>>)
      %dma_wait3A_71 = tpu.memref_slice %arg5[%mul3A_68] : memref<786432xf32, #tpu.memory_space<hbm>> -> memref<8192xf32, #tpu.memory_space<hbm>>
      %dma_wait3A_72 = tpu.memref_slice %arg5[%mul3A_68] : memref<786432xf32, #tpu.memory_space<hbm>> -> memref<8192xf32, #tpu.memory_space<hbm>>
      tpu.wait_dma2 semaphore(%run_scoped3A : memref<!tpu.dma_semaphore, #tpu.memory_space<semaphore_mem>>) src(%arg8 : memref<8192xf32, #tpu.memory_space<vmem>>) dst(%dma_wait3A_72 : memref<8192xf32, #tpu.memory_space<hbm>>)
      tpu.yield
    }) : () -> ()
    return
  }
}

module attributes {stable_mosaic.version = 14 : i64} {
  func.func @body(%arg0: i32, %arg1: memref<1x3x16x512xf32, #tpu.memory_space<vmem>>, %arg2: memref<512x13xf32, #tpu.memory_space<vmem>>, %arg3: memref<13x16xf32, #tpu.memory_space<vmem>>, %arg4: memref<1x13xf32, #tpu.memory_space<vmem>>, %arg5: memref<1x1xf32, #tpu.memory_space<vmem>>, %arg6: memref<512x1xf32, #tpu.memory_space<vmem>>) attributes {dimension_semantics = [#tpu.dimension_semantics<arbitrary>], iteration_bounds = array<i64: 32>, scalar_prefetch = 0 : i64, scratch_operands = 0 : i64, tpu.core_type = #tpu.core_type<tc>, window_params = [{transform_indices = @transform_0, window_bounds = array<i64: 1, 3, 16, 512>}, {transform_indices = @transform_1, window_bounds = array<i64: 512, 13>}, {pipeline_mode = #tpu.pipeline_mode<synchronous>, transform_indices = @transform_2, window_bounds = array<i64: 13, 16>}, {pipeline_mode = #tpu.pipeline_mode<synchronous>, transform_indices = @transform_3, window_bounds = array<i64: 1, 13>}, {pipeline_mode = #tpu.pipeline_mode<synchronous>, transform_indices = @transform_4, window_bounds = array<i64: 1, 1>}, {transform_indices = @transform_5, window_bounds = array<i64: 512, 1>}]} {
    %get3A = arith.constant 0 : index
    %get3A_0 = arith.constant 0 : index
    %get3A_1 = arith.constant 0 : index
    %get3A_2 = arith.constant 0 : index
    %get3A_3 = vector.load %arg1[%get3A, %get3A_0, %get3A_1, %get3A_2] : memref<1x3x16x512xf32, #tpu.memory_space<vmem>>, vector<1x3x16x512xf32>
    %get3A_4 = vector.shape_cast %get3A_3 : vector<1x3x16x512xf32> to vector<3x16x512xf32>
    %slice3A = vector.extract_strided_slice %get3A_4 {offsets = [0, 0, 0], sizes = [1, 16, 512], strides = [1, 1, 1]} : vector<3x16x512xf32> to vector<1x16x512xf32>
    %squeeze3A = vector.shape_cast %slice3A : vector<1x16x512xf32> to vector<16x512xf32>
    %transpose3A = tpu.transpose %squeeze3A, [1, 0] : vector<16x512xf32> -> vector<512x16xf32>
    %slice3A_5 = vector.extract_strided_slice %get3A_4 {offsets = [1, 0, 0], sizes = [1, 16, 512], strides = [1, 1, 1]} : vector<3x16x512xf32> to vector<1x16x512xf32>
    %squeeze3A_6 = vector.shape_cast %slice3A_5 : vector<1x16x512xf32> to vector<16x512xf32>
    %transpose3A_7 = tpu.transpose %squeeze3A_6, [1, 0] : vector<16x512xf32> -> vector<512x16xf32>
    %slice3A_8 = vector.extract_strided_slice %get3A_4 {offsets = [2, 0, 0], sizes = [1, 16, 512], strides = [1, 1, 1]} : vector<3x16x512xf32> to vector<1x16x512xf32>
    %squeeze3A_9 = vector.shape_cast %slice3A_8 : vector<1x16x512xf32> to vector<16x512xf32>
    %transpose3A_10 = tpu.transpose %squeeze3A_9, [1, 0] : vector<16x512xf32> -> vector<512x16xf32>
    %get3A_11 = arith.constant 0 : index
    %get3A_12 = arith.constant 0 : index
    %get3A_13 = vector.load %arg2[%get3A_11, %get3A_12] : memref<512x13xf32, #tpu.memory_space<vmem>>, vector<512x13xf32>
    %get3A_14 = arith.constant 0 : index
    %get3A_15 = arith.constant 0 : index
    %get3A_16 = vector.load %arg3[%get3A_14, %get3A_15] : memref<13x16xf32, #tpu.memory_space<vmem>>, vector<13x16xf32>
    %dot_general3A = arith.constant dense<0.000000e+00> : vector<512x16xf32>
    %dot_general3A_17 = tpu.matmul %get3A_13, %get3A_16, %dot_general3A {dimension_numbers = #tpu.dot_dimension_numbers<[1], [0], [0], [1], [0, 0, 1, 1], [], []>, transpose_lhs_hint = false} : vector<512x13xf32>, vector<13x16xf32>, vector<512x16xf32> -> vector<512x16xf32>
    %add3A = arith.addf %transpose3A, %dot_general3A_17 : vector<512x16xf32>
    %mul3A = arith.mulf %get3A_13, %get3A_13 : vector<512x13xf32>
    %mul3A_18 = arith.mulf %get3A_16, %get3A_16 : vector<13x16xf32>
    %dot_general3A_19 = arith.constant dense<0.000000e+00> : vector<512x16xf32>
    %dot_general3A_20 = tpu.matmul %mul3A, %mul3A_18, %dot_general3A_19 {dimension_numbers = #tpu.dot_dimension_numbers<[1], [0], [0], [1], [0, 0, 1, 1], [], []>, transpose_lhs_hint = false} : vector<512x13xf32>, vector<13x16xf32>, vector<512x16xf32> -> vector<512x16xf32>
    %add3A_21 = arith.addf %transpose3A_7, %dot_general3A_20 : vector<512x16xf32>
    %reduce_sum3A = arith.constant dense<0.000000e+00> : vector<512xf32>
    %reduce_sum3A_22 = vector.multi_reduction <add>, %transpose3A_10, %reduce_sum3A [1] : vector<512x16xf32> to vector<512xf32>
    %broadcast_in_dim3A = vector.shape_cast %reduce_sum3A_22 : vector<512xf32> to vector<512x1xf32>
    %get3A_23 = arith.constant 0 : index
    %get3A_24 = arith.constant 0 : index
    %get3A_25 = vector.load %arg4[%get3A_23, %get3A_24] : memref<1x13xf32, #tpu.memory_space<vmem>>, vector<1x13xf32>
    %mul3A_26 = vector.broadcast %get3A_25 : vector<1x13xf32> to vector<512x13xf32>
    %mul3A_27 = arith.mulf %get3A_13, %mul3A_26 : vector<512x13xf32>
    %reduce_sum3A_28 = arith.constant dense<0.000000e+00> : vector<512xf32>
    %reduce_sum3A_29 = vector.multi_reduction <add>, %mul3A_27, %reduce_sum3A_28 [1] : vector<512x13xf32> to vector<512xf32>
    %broadcast_in_dim3A_30 = vector.shape_cast %reduce_sum3A_29 : vector<512xf32> to vector<512x1xf32>
    %add3A_31 = arith.addf %broadcast_in_dim3A, %broadcast_in_dim3A_30 : vector<512x1xf32>
    %get3A_32 = arith.constant 0 : index
    %get3A_33 = arith.constant 0 : index
    %get3A_34 = vector.load %arg5[%get3A_32, %get3A_33] : memref<1x1xf32, #tpu.memory_space<vmem>>, vector<1x1xf32>
    %get3A_35 = vector.extract %get3A_34[0, 0] : f32 from vector<1x1xf32>
    %add3A_36 = vector.broadcast %get3A_35 : f32 to vector<512x1xf32>
    %add3A_37 = arith.addf %add3A_31, %add3A_36 : vector<512x1xf32>
    %mul3A_38 = arith.mulf %add3A, %add3A : vector<512x16xf32>
    %sub3A = arith.subf %mul3A_38, %add3A_21 : vector<512x16xf32>
    %reduce_sum3A_39 = arith.constant dense<0.000000e+00> : vector<512xf32>
    %reduce_sum3A_40 = vector.multi_reduction <add>, %sub3A, %reduce_sum3A_39 [1] : vector<512x16xf32> to vector<512xf32>
    %broadcast_in_dim3A_41 = vector.shape_cast %reduce_sum3A_40 : vector<512xf32> to vector<512x1xf32>
    %mul3A_42 = arith.constant 5.000000e-01 : f32
    %mul3A_43 = vector.broadcast %mul3A_42 : f32 to vector<512x1xf32>
    %mul3A_44 = arith.mulf %mul3A_43, %broadcast_in_dim3A_41 : vector<512x1xf32>
    %add3A_45 = arith.addf %add3A_37, %mul3A_44 : vector<512x1xf32>
    %swap3A = arith.constant 0 : index
    %swap3A_46 = arith.constant 0 : index
    %swap3A_47 = vector.load %arg6[%swap3A, %swap3A_46] : memref<512x1xf32, #tpu.memory_space<vmem>>, vector<512x1xf32>
    tpu.vector_store %arg6[%swap3A, %swap3A_46], %add3A_45 {strides = array<i32>} : memref<512x1xf32, #tpu.memory_space<vmem>>, vector<512x1xf32>,
    return
  }
  func.func @transform_0(%arg0: i32) -> (i32, i32, i32, i32) {
    %jit3A = arith.constant 16 : i32
    %div3A = arith.divsi %arg0, %jit3A : i32
    %sign3A = arith.constant 0 : i32
    %sign3A_0 = arith.cmpi sgt, %arg0, %sign3A : i32
    %sign3A_1 = arith.extui %sign3A_0 : i1 to i32
    %sign3A_2 = arith.constant 0 : i32
    %sign3A_3 = arith.cmpi slt, %arg0, %sign3A_2 : i32
    %sign3A_4 = arith.extui %sign3A_3 : i1 to i32
    %sign3A_5 = arith.subi %sign3A_1, %sign3A_4 : i32
    %sign3A_6 = arith.constant 0 : i32
    %sign3A_7 = arith.cmpi sgt, %jit3A, %sign3A_6 : i32
    %sign3A_8 = arith.extui %sign3A_7 : i1 to i32
    %sign3A_9 = arith.constant 0 : i32
    %sign3A_10 = arith.cmpi slt, %jit3A, %sign3A_9 : i32
    %sign3A_11 = arith.extui %sign3A_10 : i1 to i32
    %sign3A_12 = arith.subi %sign3A_8, %sign3A_11 : i32
    %ne3A = arith.cmpi ne, %sign3A_5, %sign3A_12 : i32
    %rem3A = arith.remsi %arg0, %jit3A : i32
    %ne3A_13 = arith.constant 0 : i32
    %ne3A_14 = arith.cmpi ne, %rem3A, %ne3A_13 : i32
    %and3A = arith.andi %ne3A, %ne3A_14 : i1
    %sub3A = arith.constant 1 : i32
    %sub3A_15 = arith.subi %div3A, %sub3A : i32
    %select_n3A = arith.select %and3A, %sub3A_15, %div3A : i32
    %jit3A_16 = arith.constant 16 : i32
    %eq3A = arith.constant 0 : i32
    %eq3A_17 = arith.cmpi eq, %jit3A_16, %eq3A : i32
    %jit3A_18 = arith.constant 1 : i32
    %select_n3A_19 = arith.select %eq3A_17, %jit3A_18, %jit3A_16 : i32
    %rem3A_20 = arith.remsi %arg0, %select_n3A_19 : i32
    %ne3A_21 = arith.constant 0 : i32
    %ne3A_22 = arith.cmpi ne, %rem3A_20, %ne3A_21 : i32
    %lt3A = arith.constant 0 : i32
    %lt3A_23 = arith.cmpi slt, %rem3A_20, %lt3A : i32
    %lt3A_24 = arith.constant 0 : i32
    %lt3A_25 = arith.cmpi slt, %select_n3A_19, %lt3A_24 : i32
    %ne3A_26 = arith.xori %lt3A_23, %lt3A_25 : i1
    %and3A_27 = arith.andi %ne3A_26, %ne3A_22 : i1
    %add3A = arith.addi %rem3A_20, %select_n3A_19 : i32
    %select_n3A_28 = arith.select %and3A_27, %add3A, %rem3A_20 : i32
    %c0_i32 = arith.constant 0 : i32
    %c0_i32_29 = arith.constant 0 : i32
    %c0_i32_30 = arith.constant 0 : i32
    return %select_n3A, %c0_i32, %c0_i32_29, %select_n3A_28 : i32, i32, i32, i32
  }
  func.func @transform_1(%arg0: i32) -> (i32, i32) {
    %c0_i32 = arith.constant 0 : i32
    %c0_i32_0 = arith.constant 0 : i32
    return %arg0, %c0_i32 : i32, i32
  }
  func.func @transform_2(%arg0: i32) -> (i32, i32) {
    %c0_i32 = arith.constant 0 : i32
    %c0_i32_0 = arith.constant 0 : i32
    %c0_i32_1 = arith.constant 0 : i32
    return %c0_i32, %c0_i32_0 : i32, i32
  }
  func.func @transform_3(%arg0: i32) -> (i32, i32) {
    %c0_i32 = arith.constant 0 : i32
    %c0_i32_0 = arith.constant 0 : i32
    %c0_i32_1 = arith.constant 0 : i32
    return %c0_i32, %c0_i32_0 : i32, i32
  }
  func.func @transform_4(%arg0: i32) -> (i32, i32) {
    %c0_i32 = arith.constant 0 : i32
    %c0_i32_0 = arith.constant 0 : i32
    %c0_i32_1 = arith.constant 0 : i32
    return %c0_i32, %c0_i32_0 : i32, i32
  }
  func.func @transform_5(%arg0: i32) -> (i32, i32) {
    %c0_i32 = arith.constant 0 : i32
    %c0_i32_0 = arith.constant 0 : i32
    return %arg0, %c0_i32 : i32, i32
  }
}

</mosaic_0001>

<sc_bundles>
// kernel: kernel.4.cloned.1.call-start
scs
__scs_entry_jumppad:
0x0: {  	(pc) =	sbr.rel $0x88, $3  }
0x1: {  	(tag) =	ssettag $0x0;
	lr =	simm.s32 $0x1  }
0x2: {  	[smem:$0x3F9A] =	sst lr;
	_ =	strace $0xD0000000  }
0x3: {  	_ = 	snop  }
0x4: {  	_ = 	snop  }
0x5: {  	_ = 	snop  }
0x6: {  	_ = 	snop  }
0x7: {  	_ = 	snop  }
__scs_overlays_trampoline_lowered:
0x8: {  	[smem:$0x3FA9] =	sst s0  }
0x9: {  	[smem:$0x3FAA] =	sst s1  }
0xa: {  	[smem:$0x3FAB] =	sst s2  }
0xb: {  	[smem:$0x3FAC] =	sst s3  }
0xc: {  	[smem:$0x3FAD] =	sst s4  }
0xd: {  	[smem:$0x3FAE] =	sst s5  }
0xe: {  	[smem:$0x3FAF] =	sst s6  }
0xf: {  	[smem:$0x3FB0] =	sst s7  }
0x10: {  	[smem:$0x3FB1] =	sst s8  }
0x11: {  	[smem:$0x3FB2] =	sst s9;
	s0 =	simm.s32 @!p0 $0x0  }
0x12: {  	s1 =	sld [smem:$0x3F98];
	s0 =	simm.s32 @p0 $0x1  }
0x13: {  	[smem:$0x3FB3] =	sst s0;
	s0 =	simm.s32 @!p1 $0x0  }
0x14: {  	s2 =	sld [smem:$0x3F97];
	s0 =	simm.s32 @p1 $0x1  }
0x15: {  	[smem:$0x3FB4] =	sst s0;
	s0 =	simm.s32 @!p2 $0x0  }
0x16: {  	s3 =	sld [smem:$0x3FDB];
	s0 =	simm.s32 @p2 $0x1  }
0x17: {  	s4 =	simm.s32 $0x1BF5;
	[smem:$0x3FB6] =	sst s0  }
0x18: {  	s0 =	sld [smem:$0x3F99];
	_ =	swait.ge [sflag:s4], $0x0  }
0x19: {  	s7 =	sld [smem:$0x3F9A]  }
0x1a: {  	s8 =	sadd.s32 $0xFFFFE003, lr  }
0x1b: {  	s9 =	sadd.s32 $0xFFFFFEF7, lr;
	s5 =	simm.s32 $0xFFFFFFFF;
	p2 =	slt.u32 s8, $0xFFFFF086  }
0x1c: {  	p1 =	slt.u32 s9, $0xF7A;
	s5 =	simm.s32 @!p2 $0x0  }
0x1d: {  	s5 =	simm.s32 @p1 $0x1;
	p0 =	seq.s32 s7, s2  }
0x1e: {  	s7 =	smul.u32 @!p0 $0xF7A, s2;
	p2 =	seq.s32 @!p0 s5, $0x0  }
0x1f: {  	s9 =	smul.u32 $0xF7A, s1;
	s8 =	simm.s32 @!p0 $0x1BF5;
	p2 =	por !p2, p0  }
0x20: {  	[sflag:s8] =	ssyncset.s32 @!p0 $0xFFFFF086;
	s6 =	sadd.s32 @!p0 s3, s7;
	s7 =	simm.s32 @!p0 $0x108  }
0x21: {  	s3 =	sadd.s32 s3, s9;
	s6 =	sadd.s32 @!p0 $0x88, s6;
	s7 =	simm.s32 @p2 $0x1082  }
0x22: {  	[simem:s7], [sflag:s8] =	dma.local @!p0 [hbm:s6], $0xF7A  }
0x23: {  	s9 =	sor.u32 $0xD0000000, s2;
	s6 =	simm.s32 $0x108;
	_ =	swait.ge @!p0 [sflag:s8], $0x0  }
0x24: {  	s3 =	sadd.s32 $0x88, s3;
	s6 =	simm.s32 @!p1 $0x1082;
	[sflag:s4] =	ssyncset.s32 $0xFFFFF086  }
0x25: {  	[simem:s6], [sflag:s4] =	dma.local [hbm:s3], $0xF7A  }
0x26: {  	[smem:$0x3F9A] =	sst s1;
	(tag) =	ssettag s2;
	_ =	strace s9  }
0x27: {  	s1 =	sld [smem:$0x3FAA]  }
0x28: {  	s2 =	sld [smem:$0x3FAB]  }
0x29: {  	s4 =	sld [smem:$0x3FAD]  }
0x2a: {  	p0 =	seq.s32 s5, $0x0;
	s5 =	sld [smem:$0x3FAE]  }
0x2b: {  	s6 =	sld [smem:$0x3FAF]  }
0x2c: {  	s7 =	sld [smem:$0x3FB0]  }
0x2d: {  	s3 =	simm.s32 $0x108;
	s8 =	sld [smem:$0x3FB1]  }
0x2e: {  	s3 =	simm.s32 @!p0 $0x1082;
	s9 =	sld [smem:$0x3FB2]  }
0x2f: {  	lr =	sadd.s32 s0, s3;
	s0 =	sld [smem:$0x3FA9]  }
0x30: {  	s3 =	sld [smem:$0x3FAC]  }
0x31: {  	[smem:$0x3FB5] =	sst s10  }
0x32: {  	s10 =	sld [smem:$0x3FB3];
	_ =	sdelay $0x3  }
0x33: {  	p0 =	seq.s32 s10, $0x1;
	s10 =	sld [smem:$0x3FB5];
	_ =	sdelay $0x3  }
0x34: {  	[smem:$0x3FB5] =	sst s10  }
0x35: {  	s10 =	sld [smem:$0x3FB4];
	_ =	sdelay $0x3  }
0x36: {  	p1 =	seq.s32 s10, $0x1;
	s10 =	sld [smem:$0x3FB5];
	_ =	sdelay $0x3  }
0x37: {  	[smem:$0x3FB5] =	sst s10  }
0x38: {  	s10 =	sld [smem:$0x3FB6]  }
0x39: {  	_ = 	snop;
	(pc) =	sbr.ind lr, $3  }
0x3a: {  	_ = 	snop  }
0x3b: {  	_ = 	snop  }
0x3c: {  	p2 =	seq.s32 s10, $0x1;
	s10 =	sld [smem:$0x3FB5]  }
0x3d: {  	_ =	shalt  }
0x3e: {  	_ =	shalt  }
0x3f: {  	_ =	shalt  }
0x40: {  	_ =	shalt  }
0x41: {  	_ =	shalt  }
0x42: {  	_ =	shalt  }
0x43: {  	_ =	shalt  }
0x44: {  	_ =	shalt  }
0x45: {  	_ =	shalt  }
0x46: {  	_ =	shalt  }
0x47: {  	_ =	shalt  }
0x48: {  	_ =	shalt  }
0x49: {  	_ =	shalt  }
0x4a: {  	_ =	shalt  }
0x4b: {  	_ =	shalt  }
0x4c: {  	_ =	shalt  }
0x4d: {  	_ =	shalt  }
0x4e: {  	_ =	shalt  }
0x4f: {  	_ =	shalt  }
0x50: {  	_ =	shalt  }
0x51: {  	_ =	shalt  }
0x52: {  	_ =	shalt  }
0x53: {  	_ =	shalt  }
0x54: {  	_ =	shalt  }
0x55: {  	_ =	shalt  }
0x56: {  	_ =	shalt  }
0x57: {  	_ =	shalt  }
0x58: {  	_ =	shalt  }
0x59: {  	_ =	shalt  }
0x5a: {  	_ =	shalt  }
0x5b: {  	_ =	shalt  }
0x5c: {  	_ =	shalt  }
0x5d: {  	_ =	shalt  }
0x5e: {  	_ =	shalt  }
0x5f: {  	_ =	shalt  }
0x60: {  	_ =	shalt  }
0x61: {  	_ =	shalt  }
0x62: {  	_ =	shalt  }
0x63: {  	_ =	shalt  }
0x64: {  	_ =	shalt  }
0x65: {  	_ =	shalt  }
0x66: {  	_ =	shalt  }
0x67: {  	_ =	shalt  }
0x68: {  	_ =	shalt  }
0x69: {  	_ =	shalt  }
0x6a: {  	_ =	shalt  }
0x6b: {  	_ =	shalt  }
0x6c: {  	_ =	shalt  }
0x6d: {  	_ =	shalt  }
0x6e: {  	_ =	shalt  }
0x6f: {  	_ =	shalt  }
0x70: {  	_ =	shalt  }
0x71: {  	_ =	shalt  }
0x72: {  	_ =	shalt  }
0x73: {  	_ =	shalt  }
0x74: {  	_ =	shalt  }
0x75: {  	_ =	shalt  }
0x76: {  	_ =	shalt  }
0x77: {  	_ =	shalt  }
0x78: {  	_ =	shalt  }
0x79: {  	_ =	shalt  }
0x7a: {  	_ =	shalt  }
0x7b: {  	_ =	shalt  }
0x7c: {  	_ =	shalt  }
0x7d: {  	_ =	shalt  }
0x7e: {  	_ =	shalt  }
0x7f: {  	_ =	shalt  }
0x80: {  	_ =	shalt  }
0x81: {  	_ =	shalt  }
0x82: {  	_ =	shalt  }
0x83: {  	_ =	shalt  }
0x84: {  	_ =	shalt  }
0x85: {  	_ =	shalt  }
0x86: {  	_ =	shalt  }
0x87: {  	_ =	shalt  }
.Lfunc_end0:
.L_simem_size_0:
called_computation_lowered:
.L_overlay_start_0:
0x88: {  	s2 =	sld [smem:$0x3FD9]  }
0x89: {  	s3 =	sld [smem:$0x3FFE];
	_ =	sdelay $0x1  }
0x8a: {  	s1 =	srdreg.scid  }
0x8b: {  	s0 =	sand.u32 $0x1, s1  }
0x8c: {  	s17 =	sshll.u32 s0, $0xA;
	s2 =	sadd.s32 s3, s2  }
0x8d: {  	s2 =	sadd.s32 s2, s17  }
0x8e: {  	[smem:$0x3FC1] =	sst s2  }
0x8f: {  	_ = 	snop  }
0x90: {  	s2 =	sld [smem:$0x3FC5]  }
0x91: {  	s18 =	sld [smem:$0x3FC3];
	(tm) =	ssettm $0x1  }
0x92: {  	s4 =	sld [smem:$0x3FFB];
	_ =	sdelay $0x3  }
0x93: {  	_ =	strace s4  }
0x94: {  	s4 =	sld [smem:$0x3FFC];
	_ =	sdelay $0x3  }
0x95: {  	_ =	strace s4  }
0x96: {  	s4 =	sld [smem:$0x3FFD];
	_ =	sdelay $0x3  }
0x97: {  	_ =	strace s4  }
0x98: {  	_ =	strace $0x8FFFFFFF  }
0x99: {  	s19 =	sld [smem:$0x3FDB];
	_ =	sdelay $0x1  }
0x9a: {  	s5 =	simm.s32 $_scs_section_size  }
0x9b: {  	s6 =	simm.s32 $_size__tile_overlayer_lowered;
	s7 =	simm.s32 $_tile_overlayer_lowered  }
0x9c: {  	s22 =	simm.s32 $0x1BFF;
	s21 =	sshll.u32 s7, $0x1;
	s4 =	sadd.s32 s5, s19  }
0x9d: {  	s8 =	simm.s32 $0x0;
	s20 =	sshll.u32 s6, $0x1;
	s6 =	sadd.s32 s21, s4  }
0x9e: {  	[timem:s8], [sflag:s22] =	dma.local [hbm:s6], s20  }
0x9f: {  	_ =	swait.ge [sflag:s22], s20  }
0xa0: {  	s5 =	ssub.s32 $0x0, s20;
	[sflag:s22] =	ssyncset.done $0x0  }
0xa1: {  	[sflag:s22] =	ssyncadd.s32 s5;
	_ =	sdelay $0x1  }
0xa2: {  	s23 =	simm.s32 $0x1B8B  }
0xa3: {  	_ =	swait.ge [sflag:s23], $0x1  }
0xa4: {  	[sflag:s23] =	ssyncset.done $0x0  }
0xa5: {  	s25 =	simm.s32 $0x1B8E;
	s24 =	sld [smem:$0x3FFE];
	[sflag:s23] =	ssyncadd.s32 $0xFFFFFFFF  }
0xa6: {  	s26 =	simm.s32 $execute0_lowered;
	[smem:$0x3FD2] =	sst s25  }
0xa7: {  	s6 =	sshll.u32 s26, $0x1;
	_ =	strace $0x80000046;
	[dreg:$0x1] =	wrdreg $0xFFFFFFFF  }
0xa8: {  	s28 =	simm.s32 $_size_execute0_lowered;
	s4 =	sadd.s32 s4, s6;
	[dreg:$0x0] =	wrdreg $0x0  }
0xa9: {  	s6 =	sshll.u32 s28, $0x1;
	[dreg:$0x2] =	wrdreg s4  }
0xaa: {  	[dreg:$0x3] =	wrdreg s6  }
0xab: {  	[dreg:$0x4] =	wrdreg $0xC0  }
0xac: {  	_ =	task [dreg:s8], $0x5FFFF  }
0xad: {  	[dreg:$0x1] =	wrdreg $0xFFFFFFFF  }
0xae: {  	[dreg:$0x0] =	wrdreg $0x60  }
0xaf: {  	[dreg:$0x2] =	wrdreg s18  }
0xb0: {  	[dreg:$0x3] =	wrdreg s2  }
0xb1: {  	[dreg:$0x4] =	wrdreg s24  }
0xb2: {  	[dreg:$0x5] =	wrdreg $0x9  }
0xb3: {  	_ =	task.clear_ibuf [dreg:s8], $0x6FFFF;
	_ =	strace $0x90000046  }
0xb4: {  	s29 =	simm.s32 $0x9;
	_ =	strace $0x80000048  }
0xb5: {  	_ =	swait.ge [sflag:s29], $0x1  }
0xb6: {  	[sflag:s29] =	ssyncadd.s32 $0xFFFFFFFF  }
0xb7: {  	_ =	strace $0x90000048  }
0xb8: {  	_ =	sfence  }
0xb9: {  	s30 =	sld [smem:$0x0];
	_ =	sdelay $0x2  }
0xba: {  	s31 =	sshll.u32 s1, $0xD;
	s1 =	sshrl.u32 s1, $0x2  }
0xbb: {  	s3 =	sand.u32 $0x4000, s31;
	s1 =	sadd.s32 s1, s30  }
0xbc: {  	s0 =	sor.u32 s3, s0;
	s1 =	sshll.u32 s1, $0x11  }
0xbd: {  	s0 =	sor.u32 s1, s0  }
0xbe: {  	s0 =	sadd.s32 $0x8F2B, s0  }
0xbf: {  	[sflag:s0] =	ssyncadd.remote.s32 $0x1  }
0xc0: {  	_ =	sfence.sel $0xFFFF  }
0xc1: {  	[dreg:$0x0] =	wrdreg $0xFFFFFFFF;
	(pc) =	sbr.abs _section_cstart, $3  }
0xc2: {  	[dreg:$0x1] =	wrdreg $0xFFFFFFFF  }
0xc3: {  	_ =	task.clear_ibuf [dreg:s8], $0x2FFFF;
	_ =	strace $0x9FFFFFFF  }
0xc4: {  	(tm) =	ssettm $0x7FFFFFFF  }
0xc5: {  	_ =	shalt  }
tec
execute0_lowered:
.L_overlay_start_1:
0x0: {  	(tag) =	ssettag $0x1  }
0x1: {  	s1 =	rddreg [dreg:$0x0]  }
0x2: {  	s11 =	rddreg [dreg:$0x1]  }
0x3: {  	s3 =	rddreg [dreg:$0x2]  }
0x4: {  	s0 =	rddreg [dreg:$0x3];
	s2 =	simm.s32 $0x0;
	s4 =	srdreg.scid  }
0x5: {  	s16 =	simm.s32 $0x400;
	s17 =	simm.s32 $0x18700;
	s18 =	simm.s32 $0x1  }
0x6: {  	s19 =	simm.s32 $0x2;
	s20 =	simm.s32 $0x1A700;
	s21 =	simm.s32 $0x3  }
0x7: {  	s22 =	simm.s32 $0x1C700;
	s23 =	simm.s32 $0x0;
	[smem:$0x7FF] =	sst s2  }
0x8: {  	s5 =	sand.u32 $0x1, s4;
	s4 =	sadd.s32 $0xA00, s3;
	s8 =	sadd.s32 $0xDA00, s3  }
0x9: {  	s3 =	stileid.u32;
	_ =	strace $0x80000047;
	s6 =	ssub.s32 $0x2, s5  }
0xa: {  	s24 =	sshrl.u32 s3, $0x3;
	s25 =	smul.u32 $0x30, s5;
	s9 =	sor.u32 $0x10, s3  }
0xb: {  	s5 =	sshll.u32 s5, $0xD;
	s10 =	sshll.u32 s3, $0x7;
	s26 =	smul.u32 $0x30E0, s3  }
0xc: {  	s28 =	sshll.u32 s3, $0xE;
	p0 =	sgt.u32 s3, $0x9;
	s7 =	sshrl.u32 s6, $0x1  }
0xd: {  	s10 =	sand.u32 $0x380, s10;
	s29 =	sshll.u32 s9, $0xE;
	s15 =	smul.u32 $0x30E0, s9  }
0xe: {  	s14 =	ssub.s32 s6, s7;
	s6 =	smul.u32 $0xC3800, s24;
	s12 =	sor.u32 s3, s25  }
0xf: {  	s7 =	sadd.s32 s9, s25;
	s9 =	sadd.s32 s11, s26;
	s12 =	sshll.u32 s12, $0xA  }
.Ltmp0:
0x10: {  	s13 =	sshll.u32 s7, $0xA;
	s11 =	sadd.s32 s11, s15;
	(pc) =	sbr.rel .LBB2_1-.Ltmp0, $4  }
0x11: {  	s14 =	smax.u32 s14, $0x1;
	s15 =	simm.s32 $0x80;
	s7 =	sadd.s32 s8, s12  }
0x12: {  	s8 =	sadd.s32 s8, s13;
	s12 =	sor.u32 s5, s28;
	s13 =	sor.u32 s5, s29  }
0x13: {  	s6 =	sor.u32 s10, s6;
	s30 =	sshrl.u32 s12, $0x3;
	s31 =	sshrl.u32 s13, $0x3  }
0x14: {  	v0 =	vimm.f32 $0.0e+00;
	s13 =	sadd.s32 $0x8000, s7;
	s10 =	sadd.s32 s4, s30;
	s12 =	sadd.s32 s4, s31  }
.LBB2_15:
0x15: {  	s23 =	sadd.s32 $0x1, s23  }
0x16: {  	p1 =	sne.s32 s23, s14  }
.Ltmp1:
0x17: {  	_ = 	snop;
	(pc) =	sbr.rel @!p1 .LBB2_16-.Ltmp1, $4  }
0x18: {  	[hbm4b:s13+s2] =	stream.linear.scatter [tilespmem:s20], [sflag:$0x3], $0x2000, $0x38;
	[tilespmem:$0x1E700] =	vst v63  }
0x19: {  	_ =	swait.ge [sflag:s21], $0x2000  }
0x1a: {  	[sflag:s21] =	ssyncset.done $0x0  }
0x1b: {  	[sflag:s21] =	ssyncadd.s32 $0xFFFFE000  }
.LBB2_1:
0x1c: {  	s24 =	simm.s32 $0x40;
	s25 =	simm.s32 $0x0  }
.LBB2_2:
0x1d: {  	p1 =	sne.s32 s24, $0x7FC0;
	[tilespmem:s25+$0x1A700] =	vst v0;
	s26 =	smov.u32 s24;
	s24 =	sadd.s32 $0x40, s24  }
.Ltmp2:
0x1e: {  	[tilespmem:s25+$0x1C700] =	vst v0;
	(pc) =	sbr.rel @p1 .LBB2_2-.Ltmp2, $2  }
0x1f: {  	_ =	sdelay $0x2  }
0x20: {  	s25 =	sshra.s32 s26, $0x2  }
0x21: {  	[tilespmem:s25+$0x1A700] =	vst v0  }
0x22: {  	s24 =	simm.s32 $0x0;
	[tilespmem:s25+$0x1C700] =	vst v0;
	s25 =	simm.s32 $0x0  }
.LBB2_4:
0x23: {  	s26 =	smul.u32 $0x187000, s25;
	_ =	sdelay $0x1  }
0x24: {  	s26 =	sadd.s32 s6, s26  }
0x25: {  	s26 =	sshrl.u32 s26, $0x3  }
0x26: {  	s31 =	sshll.u32 s25, $0xE;
	s26 =	sadd.s32 s1, s26  }
0x27: {  	[tilespmem:s24], [sflag:$0x1] =	stream.strided.gather [hbm4b:s26+s15], $0x18700, s16, s15, $0x38;
	[tilespmem:$0x1E700] =	vst v63  }
0x28: {  	s26 =	sor.u32 s5, s31  }
0x29: {  	s26 =	sshrl.u32 s26, $0x3  }
0x2a: {  	s26 =	sadd.s32 s4, s26  }
0x2b: {  	[tilespmem:s17], [sflag:$0x2] =	stream.linear.gather [hbm4b:s26+s24], $0x2000, $0x38;
	[tilespmem:$0x1E700] =	vst v63  }
0x2c: {  	_ =	swait.ge [sflag:s18], $0x18700  }
0x2d: {  	[sflag:s18] =	ssyncset.done $0x0  }
0x2e: {  	[sflag:s18] =	ssyncadd.s32 $0xFFFE7900  }
0x2f: {  	_ =	swait.ge [sflag:s19], $0x2000  }
0x30: {  	[sflag:s19] =	ssyncset.done $0x0  }
0x31: {  	s26 =	simm.s32 $0x0;
	[sflag:s19] =	ssyncadd.s32 $0xFFFFE000  }
0x32: {  	v1 =	vld [tilespmem:s26+$0x18700];
	_ =	sdelay $0x6  }
0x33: {  	v2 =	vld [tilespmem:s26+$0x1A700]  }
0x34: {  	v1 =	vld.idx.msk [tilespmem:v1+s2+$0x0], $0xffff  }
0x35: {  	v3 =	vld [tilespmem:s26+$0x18710]  }
0x36: {  	v4 =	vld [tilespmem:s26+$0x1C700];
	_ =	sdelay $0x2  }
0x37: {  	v5 =	vmul.f32 v1, v1  }
0x38: {  	v1 =	vadd.f32 v2, v1  }
0x39: {  	v2 =	vadd.f32 v4, v5  }
0x3a: {  	[tilespmem:s26+$0x1A700] =	vst v1  }
0x3b: {  	v59 =	vld [tilespmem:s26+$0x1C710];
	[tilespmem:s26+$0x1C700] =	vst v2  }
0x3c: {  	v1 =	vld.idx.msk [tilespmem:v3+s2+$0x0], $0xffff  }
0x3d: {  	v2 =	vld [tilespmem:s26+$0x1A710]  }
0x3e: {  	v3 =	vld [tilespmem:s26+$0x18720];
	_ =	sdelay $0x2  }
0x3f: {  	v60 =	vmul.f32 v1, v1  }
0x40: {  	v1 =	vadd.f32 v2, v1  }
0x41: {  	v2 =	vadd.f32 v59, v60  }
0x42: {  	[tilespmem:s26+$0x1A710] =	vst v1  }
0x43: {  	v61 =	vld [tilespmem:s26+$0x1C720];
	[tilespmem:s26+$0x1C710] =	vst v2  }
0x44: {  	v1 =	vld.idx.msk [tilespmem:v3+s2+$0x0], $0xffff  }
0x45: {  	v2 =	vld [tilespmem:s26+$0x1A720]  }
0x46: {  	v3 =	vld [tilespmem:s26+$0x18730];
	_ =	sdelay $0x2  }
0x47: {  	v62 =	vmul.f32 v1, v1  }
0x48: {  	v1 =	vadd.f32 v2, v1  }
0x49: {  	v2 =	vadd.f32 v61, v62  }
0x4a: {  	[tilespmem:s26+$0x1A720] =	vst v1  }
0x4b: {  	[tilespmem:s26+$0x1C720] =	vst v2;
	v2 =	vld [tilespmem:s26+$0x1A730]  }
0x4c: {  	v1 =	vld.idx.msk [tilespmem:v3+s2+$0x0], $0xffff;
	_ =	sdelay $0x3  }
0x4d: {  	s30 =	simm.s32 $0x40;
	v3 =	vld [tilespmem:s26+$0x1C730]  }
0x4e: {  	v2 =	vadd.f32 v2, v1;
	v63 =	vmul.f32 v1, v1;
	v1 =	vld [tilespmem:s30+$0x18700];
	_ =	sdelay $0x4  }
0x4f: {  	s28 =	simm.s32 $0x200;
	[tilespmem:s26+$0x1A730] =	vst v2;
	v2 =	vadd.f32 v3, v63  }
.LBB2_5:
0x50: {  	_ = 	snop  }
0x51: {  	p1 =	sne.s32 s28, $0x7F00;
	s29 =	smov.u32 s28;
	s28 =	sadd.s32 $0x100, s28;
	[tilespmem:s26+$0x1C730] =	vst v2  }
0x52: {  	s26 =	smov.u32 s30;
	v1 =	vld.idx.msk [tilespmem:v1+s2+$0x0], $0xffff  }
0x53: {  	v2 =	vld [tilespmem:s26+$0x1A700]  }
0x54: {  	v3 =	vld [tilespmem:s26+$0x18710]  }
0x55: {  	v4 =	vld [tilespmem:s26+$0x1C700];
	_ =	sdelay $0x2  }
0x56: {  	v2 =	vadd.f32 v2, v1;
	v1 =	vmul.f32 v1, v1;
	_ =	sdelay $0x1  }
0x57: {  	v1 =	vadd.f32 v4, v1  }
0x58: {  	[tilespmem:s26+$0x1A700] =	vst v2  }
0x59: {  	[tilespmem:s26+$0x1C700] =	vst v1  }
0x5a: {  	v1 =	vld.idx.msk [tilespmem:v3+s2+$0x0], $0xffff  }
0x5b: {  	v2 =	vld [tilespmem:s26+$0x1A710]  }
0x5c: {  	v3 =	vld [tilespmem:s26+$0x18720]  }
0x5d: {  	v4 =	vld [tilespmem:s26+$0x1C710];
	_ =	sdelay $0x2  }
0x5e: {  	v2 =	vadd.f32 v2, v1;
	v1 =	vmul.f32 v1, v1;
	_ =	sdelay $0x1  }
0x5f: {  	[tilespmem:s26+$0x1A710] =	vst v2;
	v1 =	vadd.f32 v4, v1;
	_ =	sdelay $0x1  }
0x60: {  	[tilespmem:s26+$0x1C710] =	vst v1  }
0x61: {  	v1 =	vld.idx.msk [tilespmem:v3+s2+$0x0], $0xffff  }
0x62: {  	v2 =	vld [tilespmem:s26+$0x1A720]  }
0x63: {  	v3 =	vld [tilespmem:s26+$0x18730]  }
0x64: {  	v4 =	vld [tilespmem:s26+$0x1C720];
	_ =	sdelay $0x2  }
0x65: {  	v2 =	vadd.f32 v2, v1;
	v1 =	vmul.f32 v1, v1;
	_ =	sdelay $0x1  }
0x66: {  	[tilespmem:s26+$0x1A720] =	vst v2;
	v1 =	vadd.f32 v4, v1;
	_ =	sdelay $0x1  }
0x67: {  	[tilespmem:s26+$0x1C720] =	vst v1  }
0x68: {  	v2 =	vld.idx.msk [tilespmem:v3+s2+$0x0], $0xffff  }
0x69: {  	v3 =	vld [tilespmem:s26+$0x1A730]  }
0x6a: {  	s30 =	sshra.s32 s29, $0x2;
	v4 =	vld [tilespmem:s26+$0x1C730]  }
0x6b: {  	v1 =	vld [tilespmem:s30+$0x18700]  }
.Ltmp3:
0x6c: {  	(pc) =	sbr.rel @p1 .LBB2_5-.Ltmp3, $3  }
0x6d: {  	_ = 	snop  }
0x6e: {  	v3 =	vadd.f32 v3, v2;
	v2 =	vmul.f32 v2, v2;
	_ =	sdelay $0x1  }
0x6f: {  	[tilespmem:s26+$0x1A730] =	vst v3;
	v2 =	vadd.f32 v4, v2  }
0x70: {  	_ =	sdelay $0x2  }
0x71: {  	[tilespmem:s26+$0x1C730] =	vst v2  }
0x72: {  	v1 =	vld.idx.msk [tilespmem:v1+s2+$0x0], $0xffff  }
0x73: {  	v2 =	vld [tilespmem:s30+$0x1A700]  }
0x74: {  	v3 =	vld [tilespmem:s30+$0x18710]  }
0x75: {  	v4 =	vld [tilespmem:s30+$0x1C700];
	_ =	sdelay $0x2  }
0x76: {  	v5 =	vmul.f32 v1, v1  }
0x77: {  	v1 =	vadd.f32 v2, v1  }
0x78: {  	v2 =	vadd.f32 v4, v5  }
0x79: {  	[tilespmem:s30+$0x1A700] =	vst v1  }
0x7a: {  	v59 =	vld [tilespmem:s30+$0x1C710];
	[tilespmem:s30+$0x1C700] =	vst v2  }
0x7b: {  	v1 =	vld.idx.msk [tilespmem:v3+s2+$0x0], $0xffff  }
0x7c: {  	v2 =	vld [tilespmem:s30+$0x1A710]  }
0x7d: {  	v3 =	vld [tilespmem:s30+$0x18720];
	_ =	sdelay $0x2  }
0x7e: {  	v60 =	vmul.f32 v1, v1  }
0x7f: {  	v1 =	vadd.f32 v2, v1  }
0x80: {  	v2 =	vadd.f32 v59, v60  }
0x81: {  	[tilespmem:s30+$0x1A710] =	vst v1  }
0x82: {  	v61 =	vld [tilespmem:s30+$0x1C720];
	[tilespmem:s30+$0x1C710] =	vst v2  }
0x83: {  	v1 =	vld.idx.msk [tilespmem:v3+s2+$0x0], $0xffff  }
0x84: {  	v2 =	vld [tilespmem:s30+$0x1A720]  }
0x85: {  	v3 =	vld [tilespmem:s30+$0x18730];
	_ =	sdelay $0x2  }
0x86: {  	v62 =	vmul.f32 v1, v1  }
0x87: {  	v1 =	vadd.f32 v2, v1  }
0x88: {  	v2 =	vadd.f32 v61, v62  }
0x89: {  	[tilespmem:s30+$0x1A720] =	vst v1  }
0x8a: {  	[tilespmem:s30+$0x1C720] =	vst v2  }
0x8b: {  	v1 =	vld.idx.msk [tilespmem:v3+s2+$0x0], $0xffff  }
0x8c: {  	v2 =	vld [tilespmem:s30+$0x1A730]  }
0x8d: {  	v3 =	vld [tilespmem:s30+$0x1C730]  }
0x8e: {  	s25 =	sadd.s32 $0x1, s25  }
0x8f: {  	p1 =	sne.s32 s25, $0x1A  }
.Ltmp4:
0x90: {  	v63 =	vmul.f32 v1, v1;
	(pc) =	sbr.rel @p1 .LBB2_4-.Ltmp4, $4  }
0x91: {  	v1 =	vadd.f32 v2, v1  }
0x92: {  	v2 =	vadd.f32 v3, v63  }
0x93: {  	[tilespmem:s30+$0x1A730] =	vst v1  }
0x94: {  	[tilespmem:s30+$0x1C730] =	vst v2  }
0x95: {  	s24 =	simm.s32 $0x0  }
0x96: {  	[hbm4b:s7+s24] =	stream.linear.scatter [tilespmem:s20], [sflag:$0x3], $0x2000, $0x38;
	[tilespmem:$0x1E700] =	vst v63  }
0x97: {  	_ =	swait.ge [sflag:s21], $0x2000  }
0x98: {  	[sflag:s21] =	ssyncset.done $0x0  }
0x99: {  	[sflag:s21] =	ssyncadd.s32 $0xFFFFE000  }
0x9a: {  	[hbm4b:s8+s24] =	stream.linear.scatter [tilespmem:s22], [sflag:$0x3], $0x2000, $0x38;
	[tilespmem:$0x1E700] =	vst v63  }
0x9b: {  	_ =	swait.ge [sflag:s21], $0x2000  }
0x9c: {  	[sflag:s21] =	ssyncset.done $0x0  }
0x9d: {  	s25 =	simm.s32 $0x0;
	s24 =	simm.s32 $0x40;
	[sflag:s21] =	ssyncadd.s32 $0xFFFFE000  }
.LBB2_8:
0x9e: {  	p1 =	sne.s32 s24, $0x7FC0;
	[tilespmem:s25+$0x1A700] =	vst v0;
	s25 =	smov.u32 s24;
	s24 =	sadd.s32 $0x40, s24  }
.Ltmp5:
0x9f: {  	(pc) =	sbr.rel @p1 .LBB2_8-.Ltmp5, $2  }
0xa0: {  	_ =	sdelay $0x2  }
0xa1: {  	s25 =	sshra.s32 s25, $0x2  }
0xa2: {  	[tilespmem:s25+$0x1A700] =	vst v0;
	s24 =	simm.s32 $0x0  }
0xa3: {  	[tilespmem:s24], [sflag:$0x1] =	stream.linear.gather [hbm4b:s9+s24], $0x18700, $0x38;
	[tilespmem:$0x1E700] =	vst v63  }
0xa4: {  	_ = 	snop  }
0xa5: {  	[tilespmem:s17], [sflag:$0x2] =	stream.linear.gather [hbm4b:s10+s24], $0x2000, $0x38;
	[tilespmem:$0x1E700] =	vst v63  }
0xa6: {  	_ =	swait.ge [sflag:s18], $0x18700  }
0xa7: {  	[sflag:s18] =	ssyncset.done $0x0  }
0xa8: {  	[sflag:s18] =	ssyncadd.s32 $0xFFFE7900  }
0xa9: {  	_ =	swait.ge [sflag:s19], $0x2000  }
0xaa: {  	[sflag:s19] =	ssyncset.done $0x0  }
0xab: {  	s24 =	simm.s32 $0x0;
	[sflag:s19] =	ssyncadd.s32 $0xFFFFE000  }
0xac: {  	v1 =	vld [tilespmem:s24+$0x18700];
	_ =	sdelay $0x5  }
0xad: {  	v2 =	vld [tilespmem:s24+$0x18710]  }
0xae: {  	v3 =	vld [tilespmem:s24+$0x1A700]  }
0xaf: {  	v1 =	vld.idx.msk [tilespmem:v1+s2+$0x0], $0xffff;
	_ =	sdelay $0x4  }
0xb0: {  	v1 =	vadd.f32 v3, v1;
	_ =	sdelay $0x1  }
0xb1: {  	v3 =	vld [tilespmem:s24+$0x18720];
	[tilespmem:s24+$0x1A700] =	vst v1  }
0xb2: {  	v1 =	vld.idx.msk [tilespmem:v2+s2+$0x0], $0xffff  }
0xb3: {  	v2 =	vld [tilespmem:s24+$0x1A710];
	_ =	sdelay $0x4  }
0xb4: {  	v1 =	vadd.f32 v2, v1;
	_ =	sdelay $0x1  }
0xb5: {  	v2 =	vld [tilespmem:s24+$0x18730];
	[tilespmem:s24+$0x1A710] =	vst v1  }
0xb6: {  	v1 =	vld.idx.msk [tilespmem:v3+s2+$0x0], $0xffff  }
0xb7: {  	v3 =	vld [tilespmem:s24+$0x1A720];
	_ =	sdelay $0x4  }
0xb8: {  	v3 =	vadd.f32 v3, v1  }
0xb9: {  	s26 =	simm.s32 $0x40  }
0xba: {  	v1 =	vld [tilespmem:s26+$0x18700];
	[tilespmem:s24+$0x1A720] =	vst v3  }
0xbb: {  	s25 =	simm.s32 $0x200;
	v2 =	vld.idx.msk [tilespmem:v2+s2+$0x0], $0xffff  }
.LBB2_10:
0xbc: {  	p1 =	sne.s32 s25, $0x7F00;
	v3 =	vld [tilespmem:s24+$0x1A730];
	_ =	sdelay $0x4  }
0xbd: {  	v2 =	vadd.f32 v3, v2;
	_ =	sdelay $0x1  }
0xbe: {  	v3 =	vld [tilespmem:s26+$0x18710];
	[tilespmem:s24+$0x1A730] =	vst v2;
	s24 =	smov.u32 s26  }
0xbf: {  	v1 =	vld.idx.msk [tilespmem:v1+s2+$0x0], $0xffff  }
0xc0: {  	v2 =	vld [tilespmem:s24+$0x1A700];
	_ =	sdelay $0x4  }
0xc1: {  	v1 =	vadd.f32 v2, v1;
	_ =	sdelay $0x1  }
0xc2: {  	[tilespmem:s24+$0x1A700] =	vst v1;
	v1 =	vld [tilespmem:s24+$0x18720]  }
0xc3: {  	v2 =	vld.idx.msk [tilespmem:v3+s2+$0x0], $0xffff  }
0xc4: {  	v3 =	vld [tilespmem:s24+$0x1A710];
	_ =	sdelay $0x4  }
0xc5: {  	v2 =	vadd.f32 v3, v2;
	_ =	sdelay $0x1  }
0xc6: {  	[tilespmem:s24+$0x1A710] =	vst v2;
	v2 =	vld [tilespmem:s24+$0x18730]  }
0xc7: {  	v1 =	vld.idx.msk [tilespmem:v1+s2+$0x0], $0xffff  }
0xc8: {  	v3 =	vld [tilespmem:s24+$0x1A720];
	_ =	sdelay $0x3  }
.Ltmp6:
0xc9: {  	(pc) =	sbr.rel @p1 .LBB2_10-.Ltmp6, $4  }
0xca: {  	v3 =	vadd.f32 v3, v1  }
0xcb: {  	s26 =	sshra.s32 s25, $0x2  }
0xcc: {  	v1 =	vld [tilespmem:s26+$0x18700];
	[tilespmem:s24+$0x1A720] =	vst v3  }
0xcd: {  	s25 =	sadd.s32 $0x100, s25;
	v2 =	vld.idx.msk [tilespmem:v2+s2+$0x0], $0xffff  }
0xce: {  	v3 =	vld [tilespmem:s24+$0x1A730];
	_ =	sdelay $0x4  }
0xcf: {  	v2 =	vadd.f32 v3, v2;
	_ =	sdelay $0x1  }
0xd0: {  	v3 =	vld [tilespmem:s26+$0x18710];
	[tilespmem:s24+$0x1A730] =	vst v2  }
0xd1: {  	v1 =	vld.idx.msk [tilespmem:v1+s2+$0x0], $0xffff  }
0xd2: {  	v2 =	vld [tilespmem:s26+$0x1A700];
	_ =	sdelay $0x4  }
0xd3: {  	v1 =	vadd.f32 v2, v1;
	_ =	sdelay $0x1  }
0xd4: {  	v2 =	vld [tilespmem:s26+$0x1A710];
	[tilespmem:s26+$0x1A700] =	vst v1  }
0xd5: {  	v1 =	vld.idx.msk [tilespmem:v3+s2+$0x0], $0xffff  }
0xd6: {  	v3 =	vld [tilespmem:s26+$0x18720];
	_ =	sdelay $0x4  }
0xd7: {  	v1 =	vadd.f32 v2, v1;
	_ =	sdelay $0x1  }
0xd8: {  	[tilespmem:s26+$0x1A710] =	vst v1;
	v1 =	vld [tilespmem:s26+$0x18730]  }
0xd9: {  	v2 =	vld.idx.msk [tilespmem:v3+s2+$0x0], $0xffff  }
0xda: {  	v3 =	vld [tilespmem:s26+$0x1A720];
	_ =	sdelay $0x4  }
0xdb: {  	v2 =	vadd.f32 v3, v2;
	_ =	sdelay $0x1  }
0xdc: {  	[tilespmem:s26+$0x1A720] =	vst v2;
	v2 =	vld [tilespmem:s26+$0x1A730]  }
0xdd: {  	v1 =	vld.idx.msk [tilespmem:v1+s2+$0x0], $0xffff;
	_ =	sdelay $0x2  }
.Ltmp7:
0xde: {  	_ = 	snop;
	(pc) =	sbr.rel @p0 .LBB2_15-.Ltmp7, $3  }
0xdf: {  	_ = 	snop  }
0xe0: {  	v1 =	vadd.f32 v2, v1;
	_ =	sdelay $0x1  }
0xe1: {  	[tilespmem:s26+$0x1A730] =	vst v1  }
0xe2: {  	s24 =	simm.s32 $0x0  }
0xe3: {  	[tilespmem:s24], [sflag:$0x1] =	stream.linear.gather [hbm4b:s11+s24], $0x18700, $0x38;
	[tilespmem:$0x1E700] =	vst v63  }
0xe4: {  	_ = 	snop  }
0xe5: {  	[tilespmem:s17], [sflag:$0x2] =	stream.linear.gather [hbm4b:s12+s24], $0x2000, $0x38;
	[tilespmem:$0x1E700] =	vst v63  }
0xe6: {  	_ =	swait.ge [sflag:s18], $0x18700  }
0xe7: {  	[sflag:s18] =	ssyncset.done $0x0  }
0xe8: {  	[sflag:s18] =	ssyncadd.s32 $0xFFFE7900  }
0xe9: {  	_ =	swait.ge [sflag:s19], $0x2000  }
0xea: {  	[sflag:s19] =	ssyncset.done $0x0  }
0xeb: {  	s24 =	simm.s32 $0x0;
	[sflag:s19] =	ssyncadd.s32 $0xFFFFE000  }
0xec: {  	v1 =	vld [tilespmem:s24+$0x18700];
	_ =	sdelay $0x5  }
0xed: {  	v2 =	vld [tilespmem:s24+$0x18710]  }
0xee: {  	v3 =	vld [tilespmem:s24+$0x1A700]  }
0xef: {  	v1 =	vld.idx.msk [tilespmem:v1+s2+$0x0], $0xffff;
	_ =	sdelay $0x4  }
0xf0: {  	v1 =	vadd.f32 v3, v1;
	_ =	sdelay $0x1  }
0xf1: {  	v3 =	vld [tilespmem:s24+$0x18720];
	[tilespmem:s24+$0x1A700] =	vst v1  }
0xf2: {  	v1 =	vld.idx.msk [tilespmem:v2+s2+$0x0], $0xffff  }
0xf3: {  	v2 =	vld [tilespmem:s24+$0x1A710];
	_ =	sdelay $0x4  }
0xf4: {  	v1 =	vadd.f32 v2, v1;
	_ =	sdelay $0x1  }
0xf5: {  	v2 =	vld [tilespmem:s24+$0x18730];
	[tilespmem:s24+$0x1A710] =	vst v1  }
0xf6: {  	v1 =	vld.idx.msk [tilespmem:v3+s2+$0x0], $0xffff  }
0xf7: {  	v3 =	vld [tilespmem:s24+$0x1A720];
	_ =	sdelay $0x4  }
0xf8: {  	v3 =	vadd.f32 v3, v1  }
0xf9: {  	s26 =	simm.s32 $0x40  }
0xfa: {  	v1 =	vld [tilespmem:s26+$0x18700];
	[tilespmem:s24+$0x1A720] =	vst v3  }
0xfb: {  	s25 =	simm.s32 $0x200;
	v2 =	vld.idx.msk [tilespmem:v2+s2+$0x0], $0xffff  }
.LBB2_13:
0xfc: {  	p1 =	sne.s32 s25, $0x7F00;
	v3 =	vld [tilespmem:s24+$0x1A730];
	_ =	sdelay $0x4  }
0xfd: {  	v2 =	vadd.f32 v3, v2;
	_ =	sdelay $0x1  }
0xfe: {  	v3 =	vld [tilespmem:s26+$0x18710];
	[tilespmem:s24+$0x1A730] =	vst v2;
	s24 =	smov.u32 s26  }
0xff: {  	v1 =	vld.idx.msk [tilespmem:v1+s2+$0x0], $0xffff  }
0x100: {  	v2 =	vld [tilespmem:s24+$0x1A700];
	_ =	sdelay $0x4  }
0x101: {  	v1 =	vadd.f32 v2, v1;
	_ =	sdelay $0x1  }
0x102: {  	[tilespmem:s24+$0x1A700] =	vst v1;
	v1 =	vld [tilespmem:s24+$0x18720]  }
0x103: {  	v2 =	vld.idx.msk [tilespmem:v3+s2+$0x0], $0xffff  }
0x104: {  	v3 =	vld [tilespmem:s24+$0x1A710];
	_ =	sdelay $0x4  }
0x105: {  	v2 =	vadd.f32 v3, v2;
	_ =	sdelay $0x1  }
0x106: {  	[tilespmem:s24+$0x1A710] =	vst v2;
	v2 =	vld [tilespmem:s24+$0x18730]  }
0x107: {  	v1 =	vld.idx.msk [tilespmem:v1+s2+$0x0], $0xffff  }
0x108: {  	v3 =	vld [tilespmem:s24+$0x1A720];
	_ =	sdelay $0x3  }
.Ltmp8:
0x109: {  	(pc) =	sbr.rel @p1 .LBB2_13-.Ltmp8, $4  }
0x10a: {  	v3 =	vadd.f32 v3, v1  }
0x10b: {  	s26 =	sshra.s32 s25, $0x2  }
0x10c: {  	v1 =	vld [tilespmem:s26+$0x18700];
	[tilespmem:s24+$0x1A720] =	vst v3  }
0x10d: {  	s25 =	sadd.s32 $0x100, s25;
	v2 =	vld.idx.msk [tilespmem:v2+s2+$0x0], $0xffff  }
0x10e: {  	v3 =	vld [tilespmem:s24+$0x1A730];
	_ =	sdelay $0x4  }
0x10f: {  	v2 =	vadd.f32 v3, v2;
	_ =	sdelay $0x1  }
0x110: {  	v3 =	vld [tilespmem:s26+$0x18710];
	[tilespmem:s24+$0x1A730] =	vst v2  }
0x111: {  	v1 =	vld.idx.msk [tilespmem:v1+s2+$0x0], $0xffff  }
0x112: {  	v2 =	vld [tilespmem:s26+$0x1A700];
	_ =	sdelay $0x4  }
0x113: {  	v1 =	vadd.f32 v2, v1;
	_ =	sdelay $0x1  }
0x114: {  	v2 =	vld [tilespmem:s26+$0x1A710];
	[tilespmem:s26+$0x1A700] =	vst v1  }
0x115: {  	v1 =	vld.idx.msk [tilespmem:v3+s2+$0x0], $0xffff  }
0x116: {  	v3 =	vld [tilespmem:s26+$0x18720];
	_ =	sdelay $0x4  }
0x117: {  	v1 =	vadd.f32 v2, v1;
	_ =	sdelay $0x1  }
0x118: {  	[tilespmem:s26+$0x1A710] =	vst v1;
	v1 =	vld [tilespmem:s26+$0x18730]  }
0x119: {  	v2 =	vld.idx.msk [tilespmem:v3+s2+$0x0], $0xffff  }
0x11a: {  	v3 =	vld [tilespmem:s26+$0x1A720];
	_ =	sdelay $0x4  }
0x11b: {  	v2 =	vadd.f32 v3, v2;
	_ =	sdelay $0x1  }
0x11c: {  	[tilespmem:s26+$0x1A720] =	vst v2;
	v2 =	vld [tilespmem:s26+$0x1A730]  }
0x11d: {  	v1 =	vld.idx.msk [tilespmem:v1+s2+$0x0], $0xffff;
	_ =	sdelay $0x2  }
.Ltmp9:
0x11e: {  	_ = 	snop;
	(pc) =	sbr.rel .LBB2_15-.Ltmp9, $3  }
0x11f: {  	_ = 	snop  }
0x120: {  	v1 =	vadd.f32 v2, v1;
	_ =	sdelay $0x1  }
0x121: {  	[tilespmem:s26+$0x1A730] =	vst v1  }
.LBB2_16:
0x122: {  	_ =	sfence.sel $0x180000  }
0x123: {  	[bflag:$0x0] =	sbarrier.arrive $0xFFFF  }
0x124: {  	p0 =	sne.s32 s3, $0x0;
	_ =	strace $0x90000047  }
0x125: {  	s0 =	sadd.s32 @!p0 $0x100000, s0;
	[bflag:$0x2] =	sbarrier.arrive $0xFFFF  }
0x126: {  	[sflag:s0] =	ssyncadd.tile.s32 @!p0 $0x1;
	_ =	shalt  }
.Lfunc_end2:
_tile_overlayer_lowered:
.L_overlay_start_2:
0x127: {  	(tag) =	ssettag $0x2  }
0x128: {  	s0 =	rddreg [dreg:$0x0];
	s2 =	stileid.u32  }
0x129: {  	s1 =	rddreg [dreg:$0x1];
	p0 =	sne.s32 s2, $0x0  }
0x12a: {  	s3 =	rddreg [dreg:$0x2];
	[bflag:$0x3] =	sbarrier.arrive $0xFFFF;
	s2 =	simm.s32 @!p0 $0x1C03  }
0x12b: {  	[timem:s3], [sflag:s2] =	dma.local @!p0 [hbm:s0], s1  }
0x12c: {  	s0 =	simm.s32 @!p0 $0x3  }
0x12d: {  	_ =	swait.ge @!p0 [sflag:s0], s1  }
0x12e: {  	s1 =	ssub.s32 @!p0 $0x0, s1;
	[sflag:s0] =	ssyncset.done @!p0 $0x0  }
0x12f: {  	[sflag:s0] =	ssyncadd.s32 @!p0 s1  }
0x130: {  	[bflag:$0x3] =	sbarrier.arrive $0xFFFF  }
0x131: {  	_ =	shalt  }

</sc_bundles>
